<compile_context>
chip_gen: v7x
topology: tpu7x:2x2x1
jax: 0.10.2.dev20260603
libtpu: 0.0.44.dev20260713+nightly
codegen_flags: <defaults>
</compile_context>

<pallas_src>
import functools
import math

import jax
import jax.numpy as jnp
from jax import lax
from jax.experimental import pallas as pl
from jax.experimental.pallas import tpu as pltpu
from jax.experimental.pallas import tpu_sc as plsc

D_H = 2048
E = 64
SCALE = 1.0 / math.sqrt(2048.0)

SC_ROWS = 512
TC_ROWS = D_H - SC_ROWS
NB = 3
R = TC_ROWS // NB

NC = 2
NS = 16
NW = NC * NS
RPW = SC_ROWS // NW
CH = 16
NCH = RPW // CH
L = 16
NV = D_H // L

_GDN = lax.GatherDimensionNumbers(
    offset_dims=(), collapsed_slice_dims=(0,), start_index_map=(0,))


def _lane_shuffle(x, idx):
    return lax.gather(x, idx[:, None], dimension_numbers=_GDN,
                      slice_sizes=(1,),
                      mode=lax.GatherScatterMode.PROMISE_IN_BOUNDS)


def _lane_allreduce(x, perms):
    for p in perms:
        x = x + _lane_shuffle(x, p)
    return x


def _sc_body(wq_hbm, wk_hbm, ctx_hbm, out_hbm, wq_v, wk_v, ctx_v, t_v):
    c = lax.axis_index("c")
    s = lax.axis_index("s")
    wid = s * NC + c
    base = TC_ROWS + wid * RPW

    pltpu.sync_copy(ctx_hbm, ctx_v)

    def _zero(j, carry):
        t_v[pl.ds(j * L, L)] = jnp.zeros((L,), jnp.float32)
        return carry

    lax.fori_loop(0, NV, _zero, 0)

    def _chunk(ci, carry):
        row0 = base + ci * CH
        pltpu.sync_copy(wq_hbm.at[pl.ds(row0, CH)], wq_v)
        pltpu.sync_copy(wk_hbm.at[pl.ds(row0, CH)], wk_v)

        def _qstep(j, accs):
            cv = ctx_v[pl.ds(j * L, L)]
            return tuple(accs[g] + wq_v[g, pl.ds(j * L, L)] * cv
                         for g in range(CH))

        accs = lax.fori_loop(
            0, NV, _qstep,
            tuple(jnp.zeros((L,), jnp.float32) for _ in range(CH)))
        lanes = lax.iota(jnp.int32, L)
        perms = [jnp.bitwise_xor(lanes, jnp.int32(st)) for st in (1, 2, 4, 8)]
        qs = [_lane_allreduce(a, perms) for a in accs]

        def _tstep(j, carry2):
            tv = t_v[pl.ds(j * L, L)]
            for g in range(CH):
                tv = tv + qs[g] * wk_v[g, pl.ds(j * L, L)]
            t_v[pl.ds(j * L, L)] = tv
            return carry2

        lax.fori_loop(0, NV, _tstep, 0)
        return carry

    lax.fori_loop(0, NCH, _chunk, 0)
    pltpu.sync_copy(t_v, out_hbm.at[wid])


def _tc_body(ctx_ref, wq_ref, wk_ref, out_ref, t_ref):
    i = pl.program_id(0)

    @pl.when(i == 0)
    def _init():
        t_ref[...] = jnp.zeros_like(t_ref)

    q_blk = jax.lax.dot_general(
        ctx_ref[...], wq_ref[...], (((1,), (1,)), ((), ())),
        preferred_element_type=jnp.float32)
    t_ref[...] += jax.lax.dot_general(
        q_blk, wk_ref[...], (((1,), (0,)), ((), ())),
        preferred_element_type=jnp.float32)

    @pl.when(i == NB - 1)
    def _fin():
        out_ref[...] = t_ref[...]


def _fin_body(t_tc_ref, part_ref, keys_ref, out_ref):
    t = t_tc_ref[...] + jnp.sum(part_ref[...], axis=0, keepdims=True)
    sc = jax.lax.dot_general(
        t, keys_ref[...], (((1,), (1,)), ((), ())),
        preferred_element_type=jnp.float32) * SCALE
    m = jnp.max(sc, axis=-1, keepdims=True)
    ex = jnp.exp(sc - m)
    out_ref[...] = ex / jnp.sum(ex, axis=-1, keepdims=True)


def kernel(expert_outputs, context, keys, Wq, Wk):
    del expert_outputs
    ctx2 = context.reshape(1, D_H)

    sc_fn = functools.partial(
        pl.kernel,
        mesh=plsc.VectorSubcoreMesh(core_axis_name="c", subcore_axis_name="s"),
        out_type=jax.ShapeDtypeStruct((NW, D_H), jnp.float32),
        scratch_types=[
            pltpu.VMEM((CH, D_H), jnp.float32),
            pltpu.VMEM((CH, D_H), jnp.float32),
            pltpu.VMEM((D_H,), jnp.float32),
            pltpu.VMEM((D_H,), jnp.float32),
        ],
    )(_sc_body)
    partials = sc_fn(Wq, Wk, context)

    t_tc = pl.pallas_call(
        _tc_body,
        grid=(NB,),
        in_specs=[
            pl.BlockSpec((1, D_H), lambda i: (0, 0)),
            pl.BlockSpec((R, D_H), lambda i: (i, 0)),
            pl.BlockSpec((R, D_H), lambda i: (i, 0)),
        ],
        out_specs=pl.BlockSpec((1, D_H), lambda i: (0, 0)),
        out_shape=jax.ShapeDtypeStruct((1, D_H), jnp.float32),
        scratch_shapes=[pltpu.VMEM((1, D_H), jnp.float32)],
        compiler_params=pltpu.CompilerParams(
            dimension_semantics=("arbitrary",),
        ),
    )(ctx2, Wq, Wk)

    gate = pl.pallas_call(
        _fin_body,
        in_specs=[
            pl.BlockSpec((1, D_H), lambda: (0, 0)),
            pl.BlockSpec((NW, D_H), lambda: (0, 0)),
            pl.BlockSpec((E, D_H), lambda: (0, 0)),
        ],
        out_specs=pl.BlockSpec((1, E), lambda: (0, 0)),
        out_shape=jax.ShapeDtypeStruct((1, E), jnp.float32),
    )(t_tc, partials, keys)
    return gate.reshape(E)

# --- scband reference (transcript-rebuilt; emitter-appended) ---
"""Pipeline reference for scband-global-context-dot-router-146028888437 (READ-ONLY COPY).

The authoritative reference and input builder live on the scoring server;
editing this copy changes nothing except your own understanding.
"""

import jax, jax.numpy as jnp
import numpy as np
import math

D_HIDDEN = 2048
D_KEY = 2048
NUM_EXPERTS = 64
TEMPERATURE = 1.0
USE_SQRT_SCALE = True


def setup_inputs(seed: int = 0) -> dict:
    key = jax.random.key(seed)
    k1, k2, k3, k4, k5 = jax.random.split(key, 5)
    expert_outputs = jax.random.normal(k1, (8, 256, D_HIDDEN), dtype=jnp.float32)
    context = jax.random.uniform(k2, (D_HIDDEN,), minval=-0.001, maxval=0.001, dtype=jnp.float32)
    keys = jax.random.uniform(k3, (NUM_EXPERTS, D_KEY), minval=-0.001, maxval=0.001, dtype=jnp.float32)
    Wq = jax.random.uniform(k4, (D_KEY, D_HIDDEN), minval=-0.02, maxval=0.02, dtype=jnp.float32)
    Wk = jax.random.uniform(k5, (D_KEY, D_KEY), minval=-0.02, maxval=0.02, dtype=jnp.float32)
    return {"expert_outputs": expert_outputs, "context": context, "keys": keys, "Wq": Wq, "Wk": Wk}


def reference(expert_outputs, context, keys, Wq, Wk):
    # expert_outputs is accepted (matching the torch forward signature) but unused.
    q = Wq @ context                      # [d_key]
    k_proj = keys @ Wk.T                  # [E, d_key]
    scale = 1.0 / math.sqrt(D_KEY) if USE_SQRT_SCALE else 1.0 / float(D_KEY)
    scores = jnp.einsum('kd,d->k', k_proj, q) * scale   # [E]
    logits = scores / max(TEMPERATURE, 1e-06)
    gate = jax.nn.softmax(logits, axis=-1)
    return gate

if __name__ == "__main__":
    import jax
    _d = setup_inputs()
    print(jax.jit(kernel)(*tuple(_d.values())))

</pallas_src>

<mosaic_0001>
#map = affine_map<(d0, d1) -> (0, 0)>
#map1 = affine_map<(d0, d1) -> (0)>
module attributes {stable_mosaic.version = 14 : i64} {
  func.func @_sc_body(%arg0: i32, %arg1: i32, %arg2: memref<2048x2048xf32, #tpu.memory_space<hbm>>, %arg3: memref<2048x2048xf32, #tpu.memory_space<hbm>>, %arg4: memref<2048xf32, #tpu.memory_space<hbm>>, %arg5: memref<32x2048xf32, #tpu.memory_space<hbm>>, %arg6: memref<16x2048xf32, #tpu.memory_space<vmem>>, %arg7: memref<16x2048xf32, #tpu.memory_space<vmem>>, %arg8: memref<2048xf32, #tpu.memory_space<vmem>>, %arg9: memref<2048xf32, #tpu.memory_space<vmem>>) attributes {dimension_semantics = [#tpu.dimension_semantics<core_parallel>, #tpu.dimension_semantics<subcore_parallel>], iteration_bounds = array<i64: 2, 16>, scalar_prefetch = 0 : i64, scratch_operands = 4 : i64, tpu.core_type = #tpu.core_type<sc_vector_subcore>, window_params = [{transform_indices = #map}, {transform_indices = #map}, {transform_indices = #map1}, {transform_indices = #map}]} {
    %mul3A = arith.constant 2 : i32
    %mul3A_0 = arith.muli %arg1, %mul3A : i32
    %add3A = arith.addi %mul3A_0, %arg0 : i32
    %mul3A_1 = arith.constant 16 : i32
    %mul3A_2 = arith.muli %add3A, %mul3A_1 : i32
    %add3A_3 = arith.constant 1536 : i32
    %add3A_4 = arith.addi %add3A_3, %mul3A_2 : i32
    "tpu.region"() ({
      %run_scoped3A = tpu.sem_alloc : memref<!tpu.dma_semaphore, #tpu.memory_space<semaphore_mem>>
      tpu.enqueue_dma source(%arg4 : memref<2048xf32, #tpu.memory_space<hbm>>) target(%arg8 : memref<2048xf32, #tpu.memory_space<vmem>>) target_semaphore(%run_scoped3A : memref<!tpu.dma_semaphore, #tpu.memory_space<semaphore_mem>>)
      tpu.wait_dma2 semaphore(%run_scoped3A : memref<!tpu.dma_semaphore, #tpu.memory_space<semaphore_mem>>) src(%arg4 : memref<2048xf32, #tpu.memory_space<hbm>>) dst(%arg8 : memref<2048xf32, #tpu.memory_space<vmem>>)
      tpu.yield
    }) : () -> ()
    %scan3A = arith.constant 0 : i32
    %scan3A_5 = arith.constant 0 : i32
    %scan3A_6 = arith.constant 128 : i32
    %scan3A_7 = arith.addi %scan3A_5, %scan3A_6 : i32
    %scan3A_8 = arith.constant 1 : i32
    scf.for %scan3A_325 = %scan3A_5 to %scan3A_7 step %scan3A_8  : i32 {
      %broadcast_in_dim3A_326 = arith.constant 0.000000e+00 : f32
      %broadcast_in_dim3A_327 = vector.broadcast %broadcast_in_dim3A_326 : f32 to vector<16xf32>
      %mul3A_328 = arith.constant 16 : i32
      %mul3A_329 = arith.muli %scan3A_325, %mul3A_328 : i32
      %swap3A = arith.index_cast %mul3A_329 : i32 to index
      %swap3A_330 = tpu.vector_load %arg9[%swap3A] {strides = array<i32>} : memref<2048xf32, #tpu.memory_space<vmem>>, vector<16xf32>,
      %swap3A_331 = vector.shape_cast %swap3A_330 : vector<16xf32> to vector<16xf32>
      %swap3A_332 = vector.shape_cast %broadcast_in_dim3A_327 : vector<16xf32> to vector<16xf32>
      tpu.vector_store %arg9[%swap3A], %swap3A_332 {strides = array<i32>} : memref<2048xf32, #tpu.memory_space<vmem>>, vector<16xf32>,
    }
    %scan3A_9 = arith.constant 128 : i32
    %scan3A_10 = arith.constant 0 : i32
    %scan3A_11 = arith.constant 0 : i32
    %mul3A_12 = arith.constant 16 : i32
    %mul3A_13 = arith.muli %scan3A_11, %mul3A_12 : i32
    %add3A_14 = arith.addi %add3A_4, %mul3A_13 : i32
    "tpu.region"() ({
      %run_scoped3A = tpu.sem_alloc : memref<!tpu.dma_semaphore, #tpu.memory_space<semaphore_mem>>
      %dma_start3A = arith.constant 0 : i32
      %dma_start3A_325 = tpu.memref_slice %arg2[%add3A_14, %dma_start3A] : memref<2048x2048xf32, #tpu.memory_space<hbm>> -> memref<16x2048xf32, #tpu.memory_space<hbm>>
      %dma_start3A_326 = arith.constant 0 : i32
      %dma_start3A_327 = tpu.memref_slice %arg2[%add3A_14, %dma_start3A_326] : memref<2048x2048xf32, #tpu.memory_space<hbm>> -> memref<16x2048xf32, #tpu.memory_space<hbm>>
      tpu.enqueue_dma source(%dma_start3A_327 : memref<16x2048xf32, #tpu.memory_space<hbm>>) target(%arg6 : memref<16x2048xf32, #tpu.memory_space<vmem>>) target_semaphore(%run_scoped3A : memref<!tpu.dma_semaphore, #tpu.memory_space<semaphore_mem>>)
      %dma_wait3A = arith.constant 0 : i32
      %dma_wait3A_328 = tpu.memref_slice %arg2[%add3A_14, %dma_wait3A] : memref<2048x2048xf32, #tpu.memory_space<hbm>> -> memref<16x2048xf32, #tpu.memory_space<hbm>>
      %dma_wait3A_329 = arith.constant 0 : i32
      %dma_wait3A_330 = tpu.memref_slice %arg2[%add3A_14, %dma_wait3A_329] : memref<2048x2048xf32, #tpu.memory_space<hbm>> -> memref<16x2048xf32, #tpu.memory_space<hbm>>
      tpu.wait_dma2 semaphore(%run_scoped3A : memref<!tpu.dma_semaphore, #tpu.memory_space<semaphore_mem>>) src(%dma_wait3A_330 : memref<16x2048xf32, #tpu.memory_space<hbm>>) dst(%arg6 : memref<16x2048xf32, #tpu.memory_space<vmem>>)
      tpu.yield
    }) : () -> ()
    "tpu.region"() ({
      %run_scoped3A = tpu.sem_alloc : memref<!tpu.dma_semaphore, #tpu.memory_space<semaphore_mem>>
      %dma_start3A = arith.constant 0 : i32
      %dma_start3A_325 = tpu.memref_slice %arg3[%add3A_14, %dma_start3A] : memref<2048x2048xf32, #tpu.memory_space<hbm>> -> memref<16x2048xf32, #tpu.memory_space<hbm>>
      %dma_start3A_326 = arith.constant 0 : i32
      %dma_start3A_327 = tpu.memref_slice %arg3[%add3A_14, %dma_start3A_326] : memref<2048x2048xf32, #tpu.memory_space<hbm>> -> memref<16x2048xf32, #tpu.memory_space<hbm>>
      tpu.enqueue_dma source(%dma_start3A_327 : memref<16x2048xf32, #tpu.memory_space<hbm>>) target(%arg7 : memref<16x2048xf32, #tpu.memory_space<vmem>>) target_semaphore(%run_scoped3A : memref<!tpu.dma_semaphore, #tpu.memory_space<semaphore_mem>>)
      %dma_wait3A = arith.constant 0 : i32
      %dma_wait3A_328 = tpu.memref_slice %arg3[%add3A_14, %dma_wait3A] : memref<2048x2048xf32, #tpu.memory_space<hbm>> -> memref<16x2048xf32, #tpu.memory_space<hbm>>
      %dma_wait3A_329 = arith.constant 0 : i32
      %dma_wait3A_330 = tpu.memref_slice %arg3[%add3A_14, %dma_wait3A_329] : memref<2048x2048xf32, #tpu.memory_space<hbm>> -> memref<16x2048xf32, #tpu.memory_space<hbm>>
      tpu.wait_dma2 semaphore(%run_scoped3A : memref<!tpu.dma_semaphore, #tpu.memory_space<semaphore_mem>>) src(%dma_wait3A_330 : memref<16x2048xf32, #tpu.memory_space<hbm>>) dst(%arg7 : memref<16x2048xf32, #tpu.memory_space<vmem>>)
      tpu.yield
    }) : () -> ()
    %broadcast_in_dim3A = arith.constant 0.000000e+00 : f32
    %broadcast_in_dim3A_15 = vector.broadcast %broadcast_in_dim3A : f32 to vector<16xf32>
    %broadcast_in_dim3A_16 = arith.constant 0.000000e+00 : f32
    %broadcast_in_dim3A_17 = vector.broadcast %broadcast_in_dim3A_16 : f32 to vector<16xf32>
    %broadcast_in_dim3A_18 = arith.constant 0.000000e+00 : f32
    %broadcast_in_dim3A_19 = vector.broadcast %broadcast_in_dim3A_18 : f32 to vector<16xf32>
    %broadcast_in_dim3A_20 = arith.constant 0.000000e+00 : f32
    %broadcast_in_dim3A_21 = vector.broadcast %broadcast_in_dim3A_20 : f32 to vector<16xf32>
    %broadcast_in_dim3A_22 = arith.constant 0.000000e+00 : f32
    %broadcast_in_dim3A_23 = vector.broadcast %broadcast_in_dim3A_22 : f32 to vector<16xf32>
    %broadcast_in_dim3A_24 = arith.constant 0.000000e+00 : f32
    %broadcast_in_dim3A_25 = vector.broadcast %broadcast_in_dim3A_24 : f32 to vector<16xf32>
    %broadcast_in_dim3A_26 = arith.constant 0.000000e+00 : f32
    %broadcast_in_dim3A_27 = vector.broadcast %broadcast_in_dim3A_26 : f32 to vector<16xf32>
    %broadcast_in_dim3A_28 = arith.constant 0.000000e+00 : f32
    %broadcast_in_dim3A_29 = vector.broadcast %broadcast_in_dim3A_28 : f32 to vector<16xf32>
    %broadcast_in_dim3A_30 = arith.constant 0.000000e+00 : f32
    %broadcast_in_dim3A_31 = vector.broadcast %broadcast_in_dim3A_30 : f32 to vector<16xf32>
    %broadcast_in_dim3A_32 = arith.constant 0.000000e+00 : f32
    %broadcast_in_dim3A_33 = vector.broadcast %broadcast_in_dim3A_32 : f32 to vector<16xf32>
    %broadcast_in_dim3A_34 = arith.constant 0.000000e+00 : f32
    %broadcast_in_dim3A_35 = vector.broadcast %broadcast_in_dim3A_34 : f32 to vector<16xf32>
    %broadcast_in_dim3A_36 = arith.constant 0.000000e+00 : f32
    %broadcast_in_dim3A_37 = vector.broadcast %broadcast_in_dim3A_36 : f32 to vector<16xf32>
    %broadcast_in_dim3A_38 = arith.constant 0.000000e+00 : f32
    %broadcast_in_dim3A_39 = vector.broadcast %broadcast_in_dim3A_38 : f32 to vector<16xf32>
    %broadcast_in_dim3A_40 = arith.constant 0.000000e+00 : f32
    %broadcast_in_dim3A_41 = vector.broadcast %broadcast_in_dim3A_40 : f32 to vector<16xf32>
    %broadcast_in_dim3A_42 = arith.constant 0.000000e+00 : f32
    %broadcast_in_dim3A_43 = vector.broadcast %broadcast_in_dim3A_42 : f32 to vector<16xf32>
    %broadcast_in_dim3A_44 = arith.constant 0.000000e+00 : f32
    %broadcast_in_dim3A_45 = vector.broadcast %broadcast_in_dim3A_44 : f32 to vector<16xf32>
    %scan3A_46 = arith.constant 0 : i32
    %scan3A_47 = arith.constant 128 : i32
    %scan3A_48 = arith.addi %scan3A_46, %scan3A_47 : i32
    %scan3A_49 = arith.constant 1 : i32
    %scan3A_50:16 = scf.for %scan3A_325 = %scan3A_46 to %scan3A_48 step %scan3A_49 iter_args(%scan3A_326 = %broadcast_in_dim3A_15, %scan3A_327 = %broadcast_in_dim3A_17, %scan3A_328 = %broadcast_in_dim3A_19, %scan3A_329 = %broadcast_in_dim3A_21, %scan3A_330 = %broadcast_in_dim3A_23, %scan3A_331 = %broadcast_in_dim3A_25, %scan3A_332 = %broadcast_in_dim3A_27, %scan3A_333 = %broadcast_in_dim3A_29, %scan3A_334 = %broadcast_in_dim3A_31, %scan3A_335 = %broadcast_in_dim3A_33, %scan3A_336 = %broadcast_in_dim3A_35, %scan3A_337 = %broadcast_in_dim3A_37, %scan3A_338 = %broadcast_in_dim3A_39, %scan3A_339 = %broadcast_in_dim3A_41, %scan3A_340 = %broadcast_in_dim3A_43, %scan3A_341 = %broadcast_in_dim3A_45) -> (vector<16xf32>, vector<16xf32>, vector<16xf32>, vector<16xf32>, vector<16xf32>, vector<16xf32>, vector<16xf32>, vector<16xf32>, vector<16xf32>, vector<16xf32>, vector<16xf32>, vector<16xf32>, vector<16xf32>, vector<16xf32>, vector<16xf32>, vector<16xf32>)  : i32 {
      %mul3A_342 = arith.constant 16 : i32
      %mul3A_343 = arith.muli %scan3A_325, %mul3A_342 : i32
      %get3A = arith.index_cast %mul3A_343 : i32 to index
      %get3A_344 = tpu.vector_load %arg8[%get3A] {strides = array<i32>} : memref<2048xf32, #tpu.memory_space<vmem>>, vector<16xf32>,
      %get3A_345 = vector.shape_cast %get3A_344 : vector<16xf32> to vector<16xf32>
      %mul3A_346 = arith.constant 16 : i32
      %mul3A_347 = arith.muli %scan3A_325, %mul3A_346 : i32
      %get3A_348 = arith.constant 0 : i32
      %get3A_349 = arith.index_cast %get3A_348 : i32 to index
      %get3A_350 = arith.index_cast %mul3A_347 : i32 to index
      %get3A_351 = tpu.vector_load %arg6[%get3A_349, %get3A_350] {strides = array<i32>} : memref<16x2048xf32, #tpu.memory_space<vmem>>, vector<1x16xf32>,
      %get3A_352 = vector.shape_cast %get3A_351 : vector<1x16xf32> to vector<16xf32>
      %mul3A_353 = arith.mulf %get3A_352, %get3A_345 : vector<16xf32>
      %add3A_354 = arith.addf %scan3A_326, %mul3A_353 : vector<16xf32>
      %mul3A_355 = arith.constant 16 : i32
      %mul3A_356 = arith.muli %scan3A_325, %mul3A_355 : i32
      %get3A_357 = arith.constant 1 : i32
      %get3A_358 = arith.index_cast %get3A_357 : i32 to index
      %get3A_359 = arith.index_cast %mul3A_356 : i32 to index
      %get3A_360 = tpu.vector_load %arg6[%get3A_358, %get3A_359] {strides = array<i32>} : memref<16x2048xf32, #tpu.memory_space<vmem>>, vector<1x16xf32>,
      %get3A_361 = vector.shape_cast %get3A_360 : vector<1x16xf32> to vector<16xf32>
      %mul3A_362 = arith.mulf %get3A_361, %get3A_345 : vector<16xf32>
      %add3A_363 = arith.addf %scan3A_327, %mul3A_362 : vector<16xf32>
      %mul3A_364 = arith.constant 16 : i32
      %mul3A_365 = arith.muli %scan3A_325, %mul3A_364 : i32
      %get3A_366 = arith.constant 2 : i32
      %get3A_367 = arith.index_cast %get3A_366 : i32 to index
      %get3A_368 = arith.index_cast %mul3A_365 : i32 to index
      %get3A_369 = tpu.vector_load %arg6[%get3A_367, %get3A_368] {strides = array<i32>} : memref<16x2048xf32, #tpu.memory_space<vmem>>, vector<1x16xf32>,
      %get3A_370 = vector.shape_cast %get3A_369 : vector<1x16xf32> to vector<16xf32>
      %mul3A_371 = arith.mulf %get3A_370, %get3A_345 : vector<16xf32>
      %add3A_372 = arith.addf %scan3A_328, %mul3A_371 : vector<16xf32>
      %mul3A_373 = arith.constant 16 : i32
      %mul3A_374 = arith.muli %scan3A_325, %mul3A_373 : i32
      %get3A_375 = arith.constant 3 : i32
      %get3A_376 = arith.index_cast %get3A_375 : i32 to index
      %get3A_377 = arith.index_cast %mul3A_374 : i32 to index
      %get3A_378 = tpu.vector_load %arg6[%get3A_376, %get3A_377] {strides = array<i32>} : memref<16x2048xf32, #tpu.memory_space<vmem>>, vector<1x16xf32>,
      %get3A_379 = vector.shape_cast %get3A_378 : vector<1x16xf32> to vector<16xf32>
      %mul3A_380 = arith.mulf %get3A_379, %get3A_345 : vector<16xf32>
      %add3A_381 = arith.addf %scan3A_329, %mul3A_380 : vector<16xf32>
      %mul3A_382 = arith.constant 16 : i32
      %mul3A_383 = arith.muli %scan3A_325, %mul3A_382 : i32
      %get3A_384 = arith.constant 4 : i32
      %get3A_385 = arith.index_cast %get3A_384 : i32 to index
      %get3A_386 = arith.index_cast %mul3A_383 : i32 to index
      %get3A_387 = tpu.vector_load %arg6[%get3A_385, %get3A_386] {strides = array<i32>} : memref<16x2048xf32, #tpu.memory_space<vmem>>, vector<1x16xf32>,
      %get3A_388 = vector.shape_cast %get3A_387 : vector<1x16xf32> to vector<16xf32>
      %mul3A_389 = arith.mulf %get3A_388, %get3A_345 : vector<16xf32>
      %add3A_390 = arith.addf %scan3A_330, %mul3A_389 : vector<16xf32>
      %mul3A_391 = arith.constant 16 : i32
      %mul3A_392 = arith.muli %scan3A_325, %mul3A_391 : i32
      %get3A_393 = arith.constant 5 : i32
      %get3A_394 = arith.index_cast %get3A_393 : i32 to index
      %get3A_395 = arith.index_cast %mul3A_392 : i32 to index
      %get3A_396 = tpu.vector_load %arg6[%get3A_394, %get3A_395] {strides = array<i32>} : memref<16x2048xf32, #tpu.memory_space<vmem>>, vector<1x16xf32>,
      %get3A_397 = vector.shape_cast %get3A_396 : vector<1x16xf32> to vector<16xf32>
      %mul3A_398 = arith.mulf %get3A_397, %get3A_345 : vector<16xf32>
      %add3A_399 = arith.addf %scan3A_331, %mul3A_398 : vector<16xf32>
      %mul3A_400 = arith.constant 16 : i32
      %mul3A_401 = arith.muli %scan3A_325, %mul3A_400 : i32
      %get3A_402 = arith.constant 6 : i32
      %get3A_403 = arith.index_cast %get3A_402 : i32 to index
      %get3A_404 = arith.index_cast %mul3A_401 : i32 to index
      %get3A_405 = tpu.vector_load %arg6[%get3A_403, %get3A_404] {strides = array<i32>} : memref<16x2048xf32, #tpu.memory_space<vmem>>, vector<1x16xf32>,
      %get3A_406 = vector.shape_cast %get3A_405 : vector<1x16xf32> to vector<16xf32>
      %mul3A_407 = arith.mulf %get3A_406, %get3A_345 : vector<16xf32>
      %add3A_408 = arith.addf %scan3A_332, %mul3A_407 : vector<16xf32>
      %mul3A_409 = arith.constant 16 : i32
      %mul3A_410 = arith.muli %scan3A_325, %mul3A_409 : i32
      %get3A_411 = arith.constant 7 : i32
      %get3A_412 = arith.index_cast %get3A_411 : i32 to index
      %get3A_413 = arith.index_cast %mul3A_410 : i32 to index
      %get3A_414 = tpu.vector_load %arg6[%get3A_412, %get3A_413] {strides = array<i32>} : memref<16x2048xf32, #tpu.memory_space<vmem>>, vector<1x16xf32>,
      %get3A_415 = vector.shape_cast %get3A_414 : vector<1x16xf32> to vector<16xf32>
      %mul3A_416 = arith.mulf %get3A_415, %get3A_345 : vector<16xf32>
      %add3A_417 = arith.addf %scan3A_333, %mul3A_416 : vector<16xf32>
      %mul3A_418 = arith.constant 16 : i32
      %mul3A_419 = arith.muli %scan3A_325, %mul3A_418 : i32
      %get3A_420 = arith.constant 8 : i32
      %get3A_421 = arith.index_cast %get3A_420 : i32 to index
      %get3A_422 = arith.index_cast %mul3A_419 : i32 to index
      %get3A_423 = tpu.vector_load %arg6[%get3A_421, %get3A_422] {strides = array<i32>} : memref<16x2048xf32, #tpu.memory_space<vmem>>, vector<1x16xf32>,
      %get3A_424 = vector.shape_cast %get3A_423 : vector<1x16xf32> to vector<16xf32>
      %mul3A_425 = arith.mulf %get3A_424, %get3A_345 : vector<16xf32>
      %add3A_426 = arith.addf %scan3A_334, %mul3A_425 : vector<16xf32>
      %mul3A_427 = arith.constant 16 : i32
      %mul3A_428 = arith.muli %scan3A_325, %mul3A_427 : i32
      %get3A_429 = arith.constant 9 : i32
      %get3A_430 = arith.index_cast %get3A_429 : i32 to index
      %get3A_431 = arith.index_cast %mul3A_428 : i32 to index
      %get3A_432 = tpu.vector_load %arg6[%get3A_430, %get3A_431] {strides = array<i32>} : memref<16x2048xf32, #tpu.memory_space<vmem>>, vector<1x16xf32>,
      %get3A_433 = vector.shape_cast %get3A_432 : vector<1x16xf32> to vector<16xf32>
      %mul3A_434 = arith.mulf %get3A_433, %get3A_345 : vector<16xf32>
      %add3A_435 = arith.addf %scan3A_335, %mul3A_434 : vector<16xf32>
      %mul3A_436 = arith.constant 16 : i32
      %mul3A_437 = arith.muli %scan3A_325, %mul3A_436 : i32
      %get3A_438 = arith.constant 10 : i32
      %get3A_439 = arith.index_cast %get3A_438 : i32 to index
      %get3A_440 = arith.index_cast %mul3A_437 : i32 to index
      %get3A_441 = tpu.vector_load %arg6[%get3A_439, %get3A_440] {strides = array<i32>} : memref<16x2048xf32, #tpu.memory_space<vmem>>, vector<1x16xf32>,
      %get3A_442 = vector.shape_cast %get3A_441 : vector<1x16xf32> to vector<16xf32>
      %mul3A_443 = arith.mulf %get3A_442, %get3A_345 : vector<16xf32>
      %add3A_444 = arith.addf %scan3A_336, %mul3A_443 : vector<16xf32>
      %mul3A_445 = arith.constant 16 : i32
      %mul3A_446 = arith.muli %scan3A_325, %mul3A_445 : i32
      %get3A_447 = arith.constant 11 : i32
      %get3A_448 = arith.index_cast %get3A_447 : i32 to index
      %get3A_449 = arith.index_cast %mul3A_446 : i32 to index
      %get3A_450 = tpu.vector_load %arg6[%get3A_448, %get3A_449] {strides = array<i32>} : memref<16x2048xf32, #tpu.memory_space<vmem>>, vector<1x16xf32>,
      %get3A_451 = vector.shape_cast %get3A_450 : vector<1x16xf32> to vector<16xf32>
      %mul3A_452 = arith.mulf %get3A_451, %get3A_345 : vector<16xf32>
      %add3A_453 = arith.addf %scan3A_337, %mul3A_452 : vector<16xf32>
      %mul3A_454 = arith.constant 16 : i32
      %mul3A_455 = arith.muli %scan3A_325, %mul3A_454 : i32
      %get3A_456 = arith.constant 12 : i32
      %get3A_457 = arith.index_cast %get3A_456 : i32 to index
      %get3A_458 = arith.index_cast %mul3A_455 : i32 to index
      %get3A_459 = tpu.vector_load %arg6[%get3A_457, %get3A_458] {strides = array<i32>} : memref<16x2048xf32, #tpu.memory_space<vmem>>, vector<1x16xf32>,
      %get3A_460 = vector.shape_cast %get3A_459 : vector<1x16xf32> to vector<16xf32>
      %mul3A_461 = arith.mulf %get3A_460, %get3A_345 : vector<16xf32>
      %add3A_462 = arith.addf %scan3A_338, %mul3A_461 : vector<16xf32>
      %mul3A_463 = arith.constant 16 : i32
      %mul3A_464 = arith.muli %scan3A_325, %mul3A_463 : i32
      %get3A_465 = arith.constant 13 : i32
      %get3A_466 = arith.index_cast %get3A_465 : i32 to index
      %get3A_467 = arith.index_cast %mul3A_464 : i32 to index
      %get3A_468 = tpu.vector_load %arg6[%get3A_466, %get3A_467] {strides = array<i32>} : memref<16x2048xf32, #tpu.memory_space<vmem>>, vector<1x16xf32>,
      %get3A_469 = vector.shape_cast %get3A_468 : vector<1x16xf32> to vector<16xf32>
      %mul3A_470 = arith.mulf %get3A_469, %get3A_345 : vector<16xf32>
      %add3A_471 = arith.addf %scan3A_339, %mul3A_470 : vector<16xf32>
      %mul3A_472 = arith.constant 16 : i32
      %mul3A_473 = arith.muli %scan3A_325, %mul3A_472 : i32
      %get3A_474 = arith.constant 14 : i32
      %get3A_475 = arith.index_cast %get3A_474 : i32 to index
      %get3A_476 = arith.index_cast %mul3A_473 : i32 to index
      %get3A_477 = tpu.vector_load %arg6[%get3A_475, %get3A_476] {strides = array<i32>} : memref<16x2048xf32, #tpu.memory_space<vmem>>, vector<1x16xf32>,
      %get3A_478 = vector.shape_cast %get3A_477 : vector<1x16xf32> to vector<16xf32>
      %mul3A_479 = arith.mulf %get3A_478, %get3A_345 : vector<16xf32>
      %add3A_480 = arith.addf %scan3A_340, %mul3A_479 : vector<16xf32>
      %mul3A_481 = arith.constant 16 : i32
      %mul3A_482 = arith.muli %scan3A_325, %mul3A_481 : i32
      %get3A_483 = arith.constant 15 : i32
      %get3A_484 = arith.index_cast %get3A_483 : i32 to index
      %get3A_485 = arith.index_cast %mul3A_482 : i32 to index
      %get3A_486 = tpu.vector_load %arg6[%get3A_484, %get3A_485] {strides = array<i32>} : memref<16x2048xf32, #tpu.memory_space<vmem>>, vector<1x16xf32>,
      %get3A_487 = vector.shape_cast %get3A_486 : vector<1x16xf32> to vector<16xf32>
      %mul3A_488 = arith.mulf %get3A_487, %get3A_345 : vector<16xf32>
      %add3A_489 = arith.addf %scan3A_341, %mul3A_488 : vector<16xf32>
      scf.yield %add3A_354, %add3A_363, %add3A_372, %add3A_381, %add3A_390, %add3A_399, %add3A_408, %add3A_417, %add3A_426, %add3A_435, %add3A_444, %add3A_453, %add3A_462, %add3A_471, %add3A_480, %add3A_489 : vector<16xf32>, vector<16xf32>, vector<16xf32>, vector<16xf32>, vector<16xf32>, vector<16xf32>, vector<16xf32>, vector<16xf32>, vector<16xf32>, vector<16xf32>, vector<16xf32>, vector<16xf32>, vector<16xf32>, vector<16xf32>, vector<16xf32>, vector<16xf32>
    }
    %scan3A_51 = arith.constant 128 : i32
    %iota3A = tpu.iota {dimensions = array<i32: 0>} : vector<16xi32>
    %xor3A = arith.constant 1 : i32
    %xor3A_52 = vector.broadcast %xor3A : i32 to vector<16xi32>
    %xor3A_53 = arith.xori %iota3A, %xor3A_52 : vector<16xi32>
    %xor3A_54 = arith.constant 2 : i32
    %xor3A_55 = vector.broadcast %xor3A_54 : i32 to vector<16xi32>
    %xor3A_56 = arith.xori %iota3A, %xor3A_55 : vector<16xi32>
    %xor3A_57 = arith.constant 4 : i32
    %xor3A_58 = vector.broadcast %xor3A_57 : i32 to vector<16xi32>
    %xor3A_59 = arith.xori %iota3A, %xor3A_58 : vector<16xi32>
    %xor3A_60 = arith.constant 8 : i32
    %xor3A_61 = vector.broadcast %xor3A_60 : i32 to vector<16xi32>
    %xor3A_62 = arith.xori %iota3A, %xor3A_61 : vector<16xi32>
    %broadcast_in_dim3A_63 = vector.shape_cast %xor3A_53 : vector<16xi32> to vector<16x1xi32>
    %gather3A = vector.shape_cast %broadcast_in_dim3A_63 : vector<16x1xi32> to vector<16xi32>
    %gather3A_64 = tpu.dynamic_gather %scan3A_50#0[%gather3A] in [0] : vector<16xf32>, vector<16xi32> -> vector<16xf32>
    %add3A_65 = arith.addf %scan3A_50#0, %gather3A_64 : vector<16xf32>
    %broadcast_in_dim3A_66 = vector.shape_cast %xor3A_56 : vector<16xi32> to vector<16x1xi32>
    %gather3A_67 = vector.shape_cast %broadcast_in_dim3A_66 : vector<16x1xi32> to vector<16xi32>
    %gather3A_68 = tpu.dynamic_gather %add3A_65[%gather3A_67] in [0] : vector<16xf32>, vector<16xi32> -> vector<16xf32>
    %add3A_69 = arith.addf %add3A_65, %gather3A_68 : vector<16xf32>
    %broadcast_in_dim3A_70 = vector.shape_cast %xor3A_59 : vector<16xi32> to vector<16x1xi32>
    %gather3A_71 = vector.shape_cast %broadcast_in_dim3A_70 : vector<16x1xi32> to vector<16xi32>
    %gather3A_72 = tpu.dynamic_gather %add3A_69[%gather3A_71] in [0] : vector<16xf32>, vector<16xi32> -> vector<16xf32>
    %add3A_73 = arith.addf %add3A_69, %gather3A_72 : vector<16xf32>
    %broadcast_in_dim3A_74 = vector.shape_cast %xor3A_62 : vector<16xi32> to vector<16x1xi32>
    %gather3A_75 = vector.shape_cast %broadcast_in_dim3A_74 : vector<16x1xi32> to vector<16xi32>
    %gather3A_76 = tpu.dynamic_gather %add3A_73[%gather3A_75] in [0] : vector<16xf32>, vector<16xi32> -> vector<16xf32>
    %add3A_77 = arith.addf %add3A_73, %gather3A_76 : vector<16xf32>
    %broadcast_in_dim3A_78 = vector.shape_cast %xor3A_53 : vector<16xi32> to vector<16x1xi32>
    %gather3A_79 = vector.shape_cast %broadcast_in_dim3A_78 : vector<16x1xi32> to vector<16xi32>
    %gather3A_80 = tpu.dynamic_gather %scan3A_50#1[%gather3A_79] in [0] : vector<16xf32>, vector<16xi32> -> vector<16xf32>
    %add3A_81 = arith.addf %scan3A_50#1, %gather3A_80 : vector<16xf32>
    %broadcast_in_dim3A_82 = vector.shape_cast %xor3A_56 : vector<16xi32> to vector<16x1xi32>
    %gather3A_83 = vector.shape_cast %broadcast_in_dim3A_82 : vector<16x1xi32> to vector<16xi32>
    %gather3A_84 = tpu.dynamic_gather %add3A_81[%gather3A_83] in [0] : vector<16xf32>, vector<16xi32> -> vector<16xf32>
    %add3A_85 = arith.addf %add3A_81, %gather3A_84 : vector<16xf32>
    %broadcast_in_dim3A_86 = vector.shape_cast %xor3A_59 : vector<16xi32> to vector<16x1xi32>
    %gather3A_87 = vector.shape_cast %broadcast_in_dim3A_86 : vector<16x1xi32> to vector<16xi32>
    %gather3A_88 = tpu.dynamic_gather %add3A_85[%gather3A_87] in [0] : vector<16xf32>, vector<16xi32> -> vector<16xf32>
    %add3A_89 = arith.addf %add3A_85, %gather3A_88 : vector<16xf32>
    %broadcast_in_dim3A_90 = vector.shape_cast %xor3A_62 : vector<16xi32> to vector<16x1xi32>
    %gather3A_91 = vector.shape_cast %broadcast_in_dim3A_90 : vector<16x1xi32> to vector<16xi32>
    %gather3A_92 = tpu.dynamic_gather %add3A_89[%gather3A_91] in [0] : vector<16xf32>, vector<16xi32> -> vector<16xf32>
    %add3A_93 = arith.addf %add3A_89, %gather3A_92 : vector<16xf32>
    %broadcast_in_dim3A_94 = vector.shape_cast %xor3A_53 : vector<16xi32> to vector<16x1xi32>
    %gather3A_95 = vector.shape_cast %broadcast_in_dim3A_94 : vector<16x1xi32> to vector<16xi32>
    %gather3A_96 = tpu.dynamic_gather %scan3A_50#2[%gather3A_95] in [0] : vector<16xf32>, vector<16xi32> -> vector<16xf32>
    %add3A_97 = arith.addf %scan3A_50#2, %gather3A_96 : vector<16xf32>
    %broadcast_in_dim3A_98 = vector.shape_cast %xor3A_56 : vector<16xi32> to vector<16x1xi32>
    %gather3A_99 = vector.shape_cast %broadcast_in_dim3A_98 : vector<16x1xi32> to vector<16xi32>
    %gather3A_100 = tpu.dynamic_gather %add3A_97[%gather3A_99] in [0] : vector<16xf32>, vector<16xi32> -> vector<16xf32>
    %add3A_101 = arith.addf %add3A_97, %gather3A_100 : vector<16xf32>
    %broadcast_in_dim3A_102 = vector.shape_cast %xor3A_59 : vector<16xi32> to vector<16x1xi32>
    %gather3A_103 = vector.shape_cast %broadcast_in_dim3A_102 : vector<16x1xi32> to vector<16xi32>
    %gather3A_104 = tpu.dynamic_gather %add3A_101[%gather3A_103] in [0] : vector<16xf32>, vector<16xi32> -> vector<16xf32>
    %add3A_105 = arith.addf %add3A_101, %gather3A_104 : vector<16xf32>
    %broadcast_in_dim3A_106 = vector.shape_cast %xor3A_62 : vector<16xi32> to vector<16x1xi32>
    %gather3A_107 = vector.shape_cast %broadcast_in_dim3A_106 : vector<16x1xi32> to vector<16xi32>
    %gather3A_108 = tpu.dynamic_gather %add3A_105[%gather3A_107] in [0] : vector<16xf32>, vector<16xi32> -> vector<16xf32>
    %add3A_109 = arith.addf %add3A_105, %gather3A_108 : vector<16xf32>
    %broadcast_in_dim3A_110 = vector.shape_cast %xor3A_53 : vector<16xi32> to vector<16x1xi32>
    %gather3A_111 = vector.shape_cast %broadcast_in_dim3A_110 : vector<16x1xi32> to vector<16xi32>
    %gather3A_112 = tpu.dynamic_gather %scan3A_50#3[%gather3A_111] in [0] : vector<16xf32>, vector<16xi32> -> vector<16xf32>
    %add3A_113 = arith.addf %scan3A_50#3, %gather3A_112 : vector<16xf32>
    %broadcast_in_dim3A_114 = vector.shape_cast %xor3A_56 : vector<16xi32> to vector<16x1xi32>
    %gather3A_115 = vector.shape_cast %broadcast_in_dim3A_114 : vector<16x1xi32> to vector<16xi32>
    %gather3A_116 = tpu.dynamic_gather %add3A_113[%gather3A_115] in [0] : vector<16xf32>, vector<16xi32> -> vector<16xf32>
    %add3A_117 = arith.addf %add3A_113, %gather3A_116 : vector<16xf32>
    %broadcast_in_dim3A_118 = vector.shape_cast %xor3A_59 : vector<16xi32> to vector<16x1xi32>
    %gather3A_119 = vector.shape_cast %broadcast_in_dim3A_118 : vector<16x1xi32> to vector<16xi32>
    %gather3A_120 = tpu.dynamic_gather %add3A_117[%gather3A_119] in [0] : vector<16xf32>, vector<16xi32> -> vector<16xf32>
    %add3A_121 = arith.addf %add3A_117, %gather3A_120 : vector<16xf32>
    %broadcast_in_dim3A_122 = vector.shape_cast %xor3A_62 : vector<16xi32> to vector<16x1xi32>
    %gather3A_123 = vector.shape_cast %broadcast_in_dim3A_122 : vector<16x1xi32> to vector<16xi32>
    %gather3A_124 = tpu.dynamic_gather %add3A_121[%gather3A_123] in [0] : vector<16xf32>, vector<16xi32> -> vector<16xf32>
    %add3A_125 = arith.addf %add3A_121, %gather3A_124 : vector<16xf32>
    %broadcast_in_dim3A_126 = vector.shape_cast %xor3A_53 : vector<16xi32> to vector<16x1xi32>
    %gather3A_127 = vector.shape_cast %broadcast_in_dim3A_126 : vector<16x1xi32> to vector<16xi32>
    %gather3A_128 = tpu.dynamic_gather %scan3A_50#4[%gather3A_127] in [0] : vector<16xf32>, vector<16xi32> -> vector<16xf32>
    %add3A_129 = arith.addf %scan3A_50#4, %gather3A_128 : vector<16xf32>
    %broadcast_in_dim3A_130 = vector.shape_cast %xor3A_56 : vector<16xi32> to vector<16x1xi32>
    %gather3A_131 = vector.shape_cast %broadcast_in_dim3A_130 : vector<16x1xi32> to vector<16xi32>
    %gather3A_132 = tpu.dynamic_gather %add3A_129[%gather3A_131] in [0] : vector<16xf32>, vector<16xi32> -> vector<16xf32>
    %add3A_133 = arith.addf %add3A_129, %gather3A_132 : vector<16xf32>
    %broadcast_in_dim3A_134 = vector.shape_cast %xor3A_59 : vector<16xi32> to vector<16x1xi32>
    %gather3A_135 = vector.shape_cast %broadcast_in_dim3A_134 : vector<16x1xi32> to vector<16xi32>
    %gather3A_136 = tpu.dynamic_gather %add3A_133[%gather3A_135] in [0] : vector<16xf32>, vector<16xi32> -> vector<16xf32>
    %add3A_137 = arith.addf %add3A_133, %gather3A_136 : vector<16xf32>
    %broadcast_in_dim3A_138 = vector.shape_cast %xor3A_62 : vector<16xi32> to vector<16x1xi32>
    %gather3A_139 = vector.shape_cast %broadcast_in_dim3A_138 : vector<16x1xi32> to vector<16xi32>
    %gather3A_140 = tpu.dynamic_gather %add3A_137[%gather3A_139] in [0] : vector<16xf32>, vector<16xi32> -> vector<16xf32>
    %add3A_141 = arith.addf %add3A_137, %gather3A_140 : vector<16xf32>
    %broadcast_in_dim3A_142 = vector.shape_cast %xor3A_53 : vector<16xi32> to vector<16x1xi32>
    %gather3A_143 = vector.shape_cast %broadcast_in_dim3A_142 : vector<16x1xi32> to vector<16xi32>
    %gather3A_144 = tpu.dynamic_gather %scan3A_50#5[%gather3A_143] in [0] : vector<16xf32>, vector<16xi32> -> vector<16xf32>
    %add3A_145 = arith.addf %scan3A_50#5, %gather3A_144 : vector<16xf32>
    %broadcast_in_dim3A_146 = vector.shape_cast %xor3A_56 : vector<16xi32> to vector<16x1xi32>
    %gather3A_147 = vector.shape_cast %broadcast_in_dim3A_146 : vector<16x1xi32> to vector<16xi32>
    %gather3A_148 = tpu.dynamic_gather %add3A_145[%gather3A_147] in [0] : vector<16xf32>, vector<16xi32> -> vector<16xf32>
    %add3A_149 = arith.addf %add3A_145, %gather3A_148 : vector<16xf32>
    %broadcast_in_dim3A_150 = vector.shape_cast %xor3A_59 : vector<16xi32> to vector<16x1xi32>
    %gather3A_151 = vector.shape_cast %broadcast_in_dim3A_150 : vector<16x1xi32> to vector<16xi32>
    %gather3A_152 = tpu.dynamic_gather %add3A_149[%gather3A_151] in [0] : vector<16xf32>, vector<16xi32> -> vector<16xf32>
    %add3A_153 = arith.addf %add3A_149, %gather3A_152 : vector<16xf32>
    %broadcast_in_dim3A_154 = vector.shape_cast %xor3A_62 : vector<16xi32> to vector<16x1xi32>
    %gather3A_155 = vector.shape_cast %broadcast_in_dim3A_154 : vector<16x1xi32> to vector<16xi32>
    %gather3A_156 = tpu.dynamic_gather %add3A_153[%gather3A_155] in [0] : vector<16xf32>, vector<16xi32> -> vector<16xf32>
    %add3A_157 = arith.addf %add3A_153, %gather3A_156 : vector<16xf32>
    %broadcast_in_dim3A_158 = vector.shape_cast %xor3A_53 : vector<16xi32> to vector<16x1xi32>
    %gather3A_159 = vector.shape_cast %broadcast_in_dim3A_158 : vector<16x1xi32> to vector<16xi32>
    %gather3A_160 = tpu.dynamic_gather %scan3A_50#6[%gather3A_159] in [0] : vector<16xf32>, vector<16xi32> -> vector<16xf32>
    %add3A_161 = arith.addf %scan3A_50#6, %gather3A_160 : vector<16xf32>
    %broadcast_in_dim3A_162 = vector.shape_cast %xor3A_56 : vector<16xi32> to vector<16x1xi32>
    %gather3A_163 = vector.shape_cast %broadcast_in_dim3A_162 : vector<16x1xi32> to vector<16xi32>
    %gather3A_164 = tpu.dynamic_gather %add3A_161[%gather3A_163] in [0] : vector<16xf32>, vector<16xi32> -> vector<16xf32>
    %add3A_165 = arith.addf %add3A_161, %gather3A_164 : vector<16xf32>
    %broadcast_in_dim3A_166 = vector.shape_cast %xor3A_59 : vector<16xi32> to vector<16x1xi32>
    %gather3A_167 = vector.shape_cast %broadcast_in_dim3A_166 : vector<16x1xi32> to vector<16xi32>
    %gather3A_168 = tpu.dynamic_gather %add3A_165[%gather3A_167] in [0] : vector<16xf32>, vector<16xi32> -> vector<16xf32>
    %add3A_169 = arith.addf %add3A_165, %gather3A_168 : vector<16xf32>
    %broadcast_in_dim3A_170 = vector.shape_cast %xor3A_62 : vector<16xi32> to vector<16x1xi32>
    %gather3A_171 = vector.shape_cast %broadcast_in_dim3A_170 : vector<16x1xi32> to vector<16xi32>
    %gather3A_172 = tpu.dynamic_gather %add3A_169[%gather3A_171] in [0] : vector<16xf32>, vector<16xi32> -> vector<16xf32>
    %add3A_173 = arith.addf %add3A_169, %gather3A_172 : vector<16xf32>
    %broadcast_in_dim3A_174 = vector.shape_cast %xor3A_53 : vector<16xi32> to vector<16x1xi32>
    %gather3A_175 = vector.shape_cast %broadcast_in_dim3A_174 : vector<16x1xi32> to vector<16xi32>
    %gather3A_176 = tpu.dynamic_gather %scan3A_50#7[%gather3A_175] in [0] : vector<16xf32>, vector<16xi32> -> vector<16xf32>
    %add3A_177 = arith.addf %scan3A_50#7, %gather3A_176 : vector<16xf32>
    %broadcast_in_dim3A_178 = vector.shape_cast %xor3A_56 : vector<16xi32> to vector<16x1xi32>
    %gather3A_179 = vector.shape_cast %broadcast_in_dim3A_178 : vector<16x1xi32> to vector<16xi32>
    %gather3A_180 = tpu.dynamic_gather %add3A_177[%gather3A_179] in [0] : vector<16xf32>, vector<16xi32> -> vector<16xf32>
    %add3A_181 = arith.addf %add3A_177, %gather3A_180 : vector<16xf32>
    %broadcast_in_dim3A_182 = vector.shape_cast %xor3A_59 : vector<16xi32> to vector<16x1xi32>
    %gather3A_183 = vector.shape_cast %broadcast_in_dim3A_182 : vector<16x1xi32> to vector<16xi32>
    %gather3A_184 = tpu.dynamic_gather %add3A_181[%gather3A_183] in [0] : vector<16xf32>, vector<16xi32> -> vector<16xf32>
    %add3A_185 = arith.addf %add3A_181, %gather3A_184 : vector<16xf32>
    %broadcast_in_dim3A_186 = vector.shape_cast %xor3A_62 : vector<16xi32> to vector<16x1xi32>
    %gather3A_187 = vector.shape_cast %broadcast_in_dim3A_186 : vector<16x1xi32> to vector<16xi32>
    %gather3A_188 = tpu.dynamic_gather %add3A_185[%gather3A_187] in [0] : vector<16xf32>, vector<16xi32> -> vector<16xf32>
    %add3A_189 = arith.addf %add3A_185, %gather3A_188 : vector<16xf32>
    %broadcast_in_dim3A_190 = vector.shape_cast %xor3A_53 : vector<16xi32> to vector<16x1xi32>
    %gather3A_191 = vector.shape_cast %broadcast_in_dim3A_190 : vector<16x1xi32> to vector<16xi32>
    %gather3A_192 = tpu.dynamic_gather %scan3A_50#8[%gather3A_191] in [0] : vector<16xf32>, vector<16xi32> -> vector<16xf32>
    %add3A_193 = arith.addf %scan3A_50#8, %gather3A_192 : vector<16xf32>
    %broadcast_in_dim3A_194 = vector.shape_cast %xor3A_56 : vector<16xi32> to vector<16x1xi32>
    %gather3A_195 = vector.shape_cast %broadcast_in_dim3A_194 : vector<16x1xi32> to vector<16xi32>
    %gather3A_196 = tpu.dynamic_gather %add3A_193[%gather3A_195] in [0] : vector<16xf32>, vector<16xi32> -> vector<16xf32>
    %add3A_197 = arith.addf %add3A_193, %gather3A_196 : vector<16xf32>
    %broadcast_in_dim3A_198 = vector.shape_cast %xor3A_59 : vector<16xi32> to vector<16x1xi32>
    %gather3A_199 = vector.shape_cast %broadcast_in_dim3A_198 : vector<16x1xi32> to vector<16xi32>
    %gather3A_200 = tpu.dynamic_gather %add3A_197[%gather3A_199] in [0] : vector<16xf32>, vector<16xi32> -> vector<16xf32>
    %add3A_201 = arith.addf %add3A_197, %gather3A_200 : vector<16xf32>
    %broadcast_in_dim3A_202 = vector.shape_cast %xor3A_62 : vector<16xi32> to vector<16x1xi32>
    %gather3A_203 = vector.shape_cast %broadcast_in_dim3A_202 : vector<16x1xi32> to vector<16xi32>
    %gather3A_204 = tpu.dynamic_gather %add3A_201[%gather3A_203] in [0] : vector<16xf32>, vector<16xi32> -> vector<16xf32>
    %add3A_205 = arith.addf %add3A_201, %gather3A_204 : vector<16xf32>
    %broadcast_in_dim3A_206 = vector.shape_cast %xor3A_53 : vector<16xi32> to vector<16x1xi32>
    %gather3A_207 = vector.shape_cast %broadcast_in_dim3A_206 : vector<16x1xi32> to vector<16xi32>
    %gather3A_208 = tpu.dynamic_gather %scan3A_50#9[%gather3A_207] in [0] : vector<16xf32>, vector<16xi32> -> vector<16xf32>
    %add3A_209 = arith.addf %scan3A_50#9, %gather3A_208 : vector<16xf32>
    %broadcast_in_dim3A_210 = vector.shape_cast %xor3A_56 : vector<16xi32> to vector<16x1xi32>
    %gather3A_211 = vector.shape_cast %broadcast_in_dim3A_210 : vector<16x1xi32> to vector<16xi32>
    %gather3A_212 = tpu.dynamic_gather %add3A_209[%gather3A_211] in [0] : vector<16xf32>, vector<16xi32> -> vector<16xf32>
    %add3A_213 = arith.addf %add3A_209, %gather3A_212 : vector<16xf32>
    %broadcast_in_dim3A_214 = vector.shape_cast %xor3A_59 : vector<16xi32> to vector<16x1xi32>
    %gather3A_215 = vector.shape_cast %broadcast_in_dim3A_214 : vector<16x1xi32> to vector<16xi32>
    %gather3A_216 = tpu.dynamic_gather %add3A_213[%gather3A_215] in [0] : vector<16xf32>, vector<16xi32> -> vector<16xf32>
    %add3A_217 = arith.addf %add3A_213, %gather3A_216 : vector<16xf32>
    %broadcast_in_dim3A_218 = vector.shape_cast %xor3A_62 : vector<16xi32> to vector<16x1xi32>
    %gather3A_219 = vector.shape_cast %broadcast_in_dim3A_218 : vector<16x1xi32> to vector<16xi32>
    %gather3A_220 = tpu.dynamic_gather %add3A_217[%gather3A_219] in [0] : vector<16xf32>, vector<16xi32> -> vector<16xf32>
    %add3A_221 = arith.addf %add3A_217, %gather3A_220 : vector<16xf32>
    %broadcast_in_dim3A_222 = vector.shape_cast %xor3A_53 : vector<16xi32> to vector<16x1xi32>
    %gather3A_223 = vector.shape_cast %broadcast_in_dim3A_222 : vector<16x1xi32> to vector<16xi32>
    %gather3A_224 = tpu.dynamic_gather %scan3A_50#10[%gather3A_223] in [0] : vector<16xf32>, vector<16xi32> -> vector<16xf32>
    %add3A_225 = arith.addf %scan3A_50#10, %gather3A_224 : vector<16xf32>
    %broadcast_in_dim3A_226 = vector.shape_cast %xor3A_56 : vector<16xi32> to vector<16x1xi32>
    %gather3A_227 = vector.shape_cast %broadcast_in_dim3A_226 : vector<16x1xi32> to vector<16xi32>
    %gather3A_228 = tpu.dynamic_gather %add3A_225[%gather3A_227] in [0] : vector<16xf32>, vector<16xi32> -> vector<16xf32>
    %add3A_229 = arith.addf %add3A_225, %gather3A_228 : vector<16xf32>
    %broadcast_in_dim3A_230 = vector.shape_cast %xor3A_59 : vector<16xi32> to vector<16x1xi32>
    %gather3A_231 = vector.shape_cast %broadcast_in_dim3A_230 : vector<16x1xi32> to vector<16xi32>
    %gather3A_232 = tpu.dynamic_gather %add3A_229[%gather3A_231] in [0] : vector<16xf32>, vector<16xi32> -> vector<16xf32>
    %add3A_233 = arith.addf %add3A_229, %gather3A_232 : vector<16xf32>
    %broadcast_in_dim3A_234 = vector.shape_cast %xor3A_62 : vector<16xi32> to vector<16x1xi32>
    %gather3A_235 = vector.shape_cast %broadcast_in_dim3A_234 : vector<16x1xi32> to vector<16xi32>
    %gather3A_236 = tpu.dynamic_gather %add3A_233[%gather3A_235] in [0] : vector<16xf32>, vector<16xi32> -> vector<16xf32>
    %add3A_237 = arith.addf %add3A_233, %gather3A_236 : vector<16xf32>
    %broadcast_in_dim3A_238 = vector.shape_cast %xor3A_53 : vector<16xi32> to vector<16x1xi32>
    %gather3A_239 = vector.shape_cast %broadcast_in_dim3A_238 : vector<16x1xi32> to vector<16xi32>
    %gather3A_240 = tpu.dynamic_gather %scan3A_50#11[%gather3A_239] in [0] : vector<16xf32>, vector<16xi32> -> vector<16xf32>
    %add3A_241 = arith.addf %scan3A_50#11, %gather3A_240 : vector<16xf32>
    %broadcast_in_dim3A_242 = vector.shape_cast %xor3A_56 : vector<16xi32> to vector<16x1xi32>
    %gather3A_243 = vector.shape_cast %broadcast_in_dim3A_242 : vector<16x1xi32> to vector<16xi32>
    %gather3A_244 = tpu.dynamic_gather %add3A_241[%gather3A_243] in [0] : vector<16xf32>, vector<16xi32> -> vector<16xf32>
    %add3A_245 = arith.addf %add3A_241, %gather3A_244 : vector<16xf32>
    %broadcast_in_dim3A_246 = vector.shape_cast %xor3A_59 : vector<16xi32> to vector<16x1xi32>
    %gather3A_247 = vector.shape_cast %broadcast_in_dim3A_246 : vector<16x1xi32> to vector<16xi32>
    %gather3A_248 = tpu.dynamic_gather %add3A_245[%gather3A_247] in [0] : vector<16xf32>, vector<16xi32> -> vector<16xf32>
    %add3A_249 = arith.addf %add3A_245, %gather3A_248 : vector<16xf32>
    %broadcast_in_dim3A_250 = vector.shape_cast %xor3A_62 : vector<16xi32> to vector<16x1xi32>
    %gather3A_251 = vector.shape_cast %broadcast_in_dim3A_250 : vector<16x1xi32> to vector<16xi32>
    %gather3A_252 = tpu.dynamic_gather %add3A_249[%gather3A_251] in [0] : vector<16xf32>, vector<16xi32> -> vector<16xf32>
    %add3A_253 = arith.addf %add3A_249, %gather3A_252 : vector<16xf32>
    %broadcast_in_dim3A_254 = vector.shape_cast %xor3A_53 : vector<16xi32> to vector<16x1xi32>
    %gather3A_255 = vector.shape_cast %broadcast_in_dim3A_254 : vector<16x1xi32> to vector<16xi32>
    %gather3A_256 = tpu.dynamic_gather %scan3A_50#12[%gather3A_255] in [0] : vector<16xf32>, vector<16xi32> -> vector<16xf32>
    %add3A_257 = arith.addf %scan3A_50#12, %gather3A_256 : vector<16xf32>
    %broadcast_in_dim3A_258 = vector.shape_cast %xor3A_56 : vector<16xi32> to vector<16x1xi32>
    %gather3A_259 = vector.shape_cast %broadcast_in_dim3A_258 : vector<16x1xi32> to vector<16xi32>
    %gather3A_260 = tpu.dynamic_gather %add3A_257[%gather3A_259] in [0] : vector<16xf32>, vector<16xi32> -> vector<16xf32>
    %add3A_261 = arith.addf %add3A_257, %gather3A_260 : vector<16xf32>
    %broadcast_in_dim3A_262 = vector.shape_cast %xor3A_59 : vector<16xi32> to vector<16x1xi32>
    %gather3A_263 = vector.shape_cast %broadcast_in_dim3A_262 : vector<16x1xi32> to vector<16xi32>
    %gather3A_264 = tpu.dynamic_gather %add3A_261[%gather3A_263] in [0] : vector<16xf32>, vector<16xi32> -> vector<16xf32>
    %add3A_265 = arith.addf %add3A_261, %gather3A_264 : vector<16xf32>
    %broadcast_in_dim3A_266 = vector.shape_cast %xor3A_62 : vector<16xi32> to vector<16x1xi32>
    %gather3A_267 = vector.shape_cast %broadcast_in_dim3A_266 : vector<16x1xi32> to vector<16xi32>
    %gather3A_268 = tpu.dynamic_gather %add3A_265[%gather3A_267] in [0] : vector<16xf32>, vector<16xi32> -> vector<16xf32>
    %add3A_269 = arith.addf %add3A_265, %gather3A_268 : vector<16xf32>
    %broadcast_in_dim3A_270 = vector.shape_cast %xor3A_53 : vector<16xi32> to vector<16x1xi32>
    %gather3A_271 = vector.shape_cast %broadcast_in_dim3A_270 : vector<16x1xi32> to vector<16xi32>
    %gather3A_272 = tpu.dynamic_gather %scan3A_50#13[%gather3A_271] in [0] : vector<16xf32>, vector<16xi32> -> vector<16xf32>
    %add3A_273 = arith.addf %scan3A_50#13, %gather3A_272 : vector<16xf32>
    %broadcast_in_dim3A_274 = vector.shape_cast %xor3A_56 : vector<16xi32> to vector<16x1xi32>
    %gather3A_275 = vector.shape_cast %broadcast_in_dim3A_274 : vector<16x1xi32> to vector<16xi32>
    %gather3A_276 = tpu.dynamic_gather %add3A_273[%gather3A_275] in [0] : vector<16xf32>, vector<16xi32> -> vector<16xf32>
    %add3A_277 = arith.addf %add3A_273, %gather3A_276 : vector<16xf32>
    %broadcast_in_dim3A_278 = vector.shape_cast %xor3A_59 : vector<16xi32> to vector<16x1xi32>
    %gather3A_279 = vector.shape_cast %broadcast_in_dim3A_278 : vector<16x1xi32> to vector<16xi32>
    %gather3A_280 = tpu.dynamic_gather %add3A_277[%gather3A_279] in [0] : vector<16xf32>, vector<16xi32> -> vector<16xf32>
    %add3A_281 = arith.addf %add3A_277, %gather3A_280 : vector<16xf32>
    %broadcast_in_dim3A_282 = vector.shape_cast %xor3A_62 : vector<16xi32> to vector<16x1xi32>
    %gather3A_283 = vector.shape_cast %broadcast_in_dim3A_282 : vector<16x1xi32> to vector<16xi32>
    %gather3A_284 = tpu.dynamic_gather %add3A_281[%gather3A_283] in [0] : vector<16xf32>, vector<16xi32> -> vector<16xf32>
    %add3A_285 = arith.addf %add3A_281, %gather3A_284 : vector<16xf32>
    %broadcast_in_dim3A_286 = vector.shape_cast %xor3A_53 : vector<16xi32> to vector<16x1xi32>
    %gather3A_287 = vector.shape_cast %broadcast_in_dim3A_286 : vector<16x1xi32> to vector<16xi32>
    %gather3A_288 = tpu.dynamic_gather %scan3A_50#14[%gather3A_287] in [0] : vector<16xf32>, vector<16xi32> -> vector<16xf32>
    %add3A_289 = arith.addf %scan3A_50#14, %gather3A_288 : vector<16xf32>
    %broadcast_in_dim3A_290 = vector.shape_cast %xor3A_56 : vector<16xi32> to vector<16x1xi32>
    %gather3A_291 = vector.shape_cast %broadcast_in_dim3A_290 : vector<16x1xi32> to vector<16xi32>
    %gather3A_292 = tpu.dynamic_gather %add3A_289[%gather3A_291] in [0] : vector<16xf32>, vector<16xi32> -> vector<16xf32>
    %add3A_293 = arith.addf %add3A_289, %gather3A_292 : vector<16xf32>
    %broadcast_in_dim3A_294 = vector.shape_cast %xor3A_59 : vector<16xi32> to vector<16x1xi32>
    %gather3A_295 = vector.shape_cast %broadcast_in_dim3A_294 : vector<16x1xi32> to vector<16xi32>
    %gather3A_296 = tpu.dynamic_gather %add3A_293[%gather3A_295] in [0] : vector<16xf32>, vector<16xi32> -> vector<16xf32>
    %add3A_297 = arith.addf %add3A_293, %gather3A_296 : vector<16xf32>
    %broadcast_in_dim3A_298 = vector.shape_cast %xor3A_62 : vector<16xi32> to vector<16x1xi32>
    %gather3A_299 = vector.shape_cast %broadcast_in_dim3A_298 : vector<16x1xi32> to vector<16xi32>
    %gather3A_300 = tpu.dynamic_gather %add3A_297[%gather3A_299] in [0] : vector<16xf32>, vector<16xi32> -> vector<16xf32>
    %add3A_301 = arith.addf %add3A_297, %gather3A_300 : vector<16xf32>
    %broadcast_in_dim3A_302 = vector.shape_cast %xor3A_53 : vector<16xi32> to vector<16x1xi32>
    %gather3A_303 = vector.shape_cast %broadcast_in_dim3A_302 : vector<16x1xi32> to vector<16xi32>
    %gather3A_304 = tpu.dynamic_gather %scan3A_50#15[%gather3A_303] in [0] : vector<16xf32>, vector<16xi32> -> vector<16xf32>
    %add3A_305 = arith.addf %scan3A_50#15, %gather3A_304 : vector<16xf32>
    %broadcast_in_dim3A_306 = vector.shape_cast %xor3A_56 : vector<16xi32> to vector<16x1xi32>
    %gather3A_307 = vector.shape_cast %broadcast_in_dim3A_306 : vector<16x1xi32> to vector<16xi32>
    %gather3A_308 = tpu.dynamic_gather %add3A_305[%gather3A_307] in [0] : vector<16xf32>, vector<16xi32> -> vector<16xf32>
    %add3A_309 = arith.addf %add3A_305, %gather3A_308 : vector<16xf32>
    %broadcast_in_dim3A_310 = vector.shape_cast %xor3A_59 : vector<16xi32> to vector<16x1xi32>
    %gather3A_311 = vector.shape_cast %broadcast_in_dim3A_310 : vector<16x1xi32> to vector<16xi32>
    %gather3A_312 = tpu.dynamic_gather %add3A_309[%gather3A_311] in [0] : vector<16xf32>, vector<16xi32> -> vector<16xf32>
    %add3A_313 = arith.addf %add3A_309, %gather3A_312 : vector<16xf32>
    %broadcast_in_dim3A_314 = vector.shape_cast %xor3A_62 : vector<16xi32> to vector<16x1xi32>
    %gather3A_315 = vector.shape_cast %broadcast_in_dim3A_314 : vector<16x1xi32> to vector<16xi32>
    %gather3A_316 = tpu.dynamic_gather %add3A_313[%gather3A_315] in [0] : vector<16xf32>, vector<16xi32> -> vector<16xf32>
    %add3A_317 = arith.addf %add3A_313, %gather3A_316 : vector<16xf32>
    %scan3A_318 = arith.constant 0 : i32
    %scan3A_319 = arith.constant 0 : i32
    %scan3A_320 = arith.constant 128 : i32
    %scan3A_321 = arith.addi %scan3A_319, %scan3A_320 : i32
    %scan3A_322 = arith.constant 1 : i32
    scf.for %scan3A_325 = %scan3A_319 to %scan3A_321 step %scan3A_322  : i32 {
      %mul3A_326 = arith.constant 16 : i32
      %mul3A_327 = arith.muli %scan3A_325, %mul3A_326 : i32
      %get3A = arith.index_cast %mul3A_327 : i32 to index
      %get3A_328 = tpu.vector_load %arg9[%get3A] {strides = array<i32>} : memref<2048xf32, #tpu.memory_space<vmem>>, vector<16xf32>,
      %get3A_329 = vector.shape_cast %get3A_328 : vector<16xf32> to vector<16xf32>
      %mul3A_330 = arith.constant 16 : i32
      %mul3A_331 = arith.muli %scan3A_325, %mul3A_330 : i32
      %get3A_332 = arith.constant 0 : i32
      %get3A_333 = arith.index_cast %get3A_332 : i32 to index
      %get3A_334 = arith.index_cast %mul3A_331 : i32 to index
      %get3A_335 = tpu.vector_load %arg7[%get3A_333, %get3A_334] {strides = array<i32>} : memref<16x2048xf32, #tpu.memory_space<vmem>>, vector<1x16xf32>,
      %get3A_336 = vector.shape_cast %get3A_335 : vector<1x16xf32> to vector<16xf32>
      %mul3A_337 = arith.mulf %add3A_77, %get3A_336 : vector<16xf32>
      %add3A_338 = arith.addf %get3A_329, %mul3A_337 : vector<16xf32>
      %mul3A_339 = arith.constant 16 : i32
      %mul3A_340 = arith.muli %scan3A_325, %mul3A_339 : i32
      %get3A_341 = arith.constant 1 : i32
      %get3A_342 = arith.index_cast %get3A_341 : i32 to index
      %get3A_343 = arith.index_cast %mul3A_340 : i32 to index
      %get3A_344 = tpu.vector_load %arg7[%get3A_342, %get3A_343] {strides = array<i32>} : memref<16x2048xf32, #tpu.memory_space<vmem>>, vector<1x16xf32>,
      %get3A_345 = vector.shape_cast %get3A_344 : vector<1x16xf32> to vector<16xf32>
      %mul3A_346 = arith.mulf %add3A_93, %get3A_345 : vector<16xf32>
      %add3A_347 = arith.addf %add3A_338, %mul3A_346 : vector<16xf32>
      %mul3A_348 = arith.constant 16 : i32
      %mul3A_349 = arith.muli %scan3A_325, %mul3A_348 : i32
      %get3A_350 = arith.constant 2 : i32
      %get3A_351 = arith.index_cast %get3A_350 : i32 to index
      %get3A_352 = arith.index_cast %mul3A_349 : i32 to index
      %get3A_353 = tpu.vector_load %arg7[%get3A_351, %get3A_352] {strides = array<i32>} : memref<16x2048xf32, #tpu.memory_space<vmem>>, vector<1x16xf32>,
      %get3A_354 = vector.shape_cast %get3A_353 : vector<1x16xf32> to vector<16xf32>
      %mul3A_355 = arith.mulf %add3A_109, %get3A_354 : vector<16xf32>
      %add3A_356 = arith.addf %add3A_347, %mul3A_355 : vector<16xf32>
      %mul3A_357 = arith.constant 16 : i32
      %mul3A_358 = arith.muli %scan3A_325, %mul3A_357 : i32
      %get3A_359 = arith.constant 3 : i32
      %get3A_360 = arith.index_cast %get3A_359 : i32 to index
      %get3A_361 = arith.index_cast %mul3A_358 : i32 to index
      %get3A_362 = tpu.vector_load %arg7[%get3A_360, %get3A_361] {strides = array<i32>} : memref<16x2048xf32, #tpu.memory_space<vmem>>, vector<1x16xf32>,
      %get3A_363 = vector.shape_cast %get3A_362 : vector<1x16xf32> to vector<16xf32>
      %mul3A_364 = arith.mulf %add3A_125, %get3A_363 : vector<16xf32>
      %add3A_365 = arith.addf %add3A_356, %mul3A_364 : vector<16xf32>
      %mul3A_366 = arith.constant 16 : i32
      %mul3A_367 = arith.muli %scan3A_325, %mul3A_366 : i32
      %get3A_368 = arith.constant 4 : i32
      %get3A_369 = arith.index_cast %get3A_368 : i32 to index
      %get3A_370 = arith.index_cast %mul3A_367 : i32 to index
      %get3A_371 = tpu.vector_load %arg7[%get3A_369, %get3A_370] {strides = array<i32>} : memref<16x2048xf32, #tpu.memory_space<vmem>>, vector<1x16xf32>,
      %get3A_372 = vector.shape_cast %get3A_371 : vector<1x16xf32> to vector<16xf32>
      %mul3A_373 = arith.mulf %add3A_141, %get3A_372 : vector<16xf32>
      %add3A_374 = arith.addf %add3A_365, %mul3A_373 : vector<16xf32>
      %mul3A_375 = arith.constant 16 : i32
      %mul3A_376 = arith.muli %scan3A_325, %mul3A_375 : i32
      %get3A_377 = arith.constant 5 : i32
      %get3A_378 = arith.index_cast %get3A_377 : i32 to index
      %get3A_379 = arith.index_cast %mul3A_376 : i32 to index
      %get3A_380 = tpu.vector_load %arg7[%get3A_378, %get3A_379] {strides = array<i32>} : memref<16x2048xf32, #tpu.memory_space<vmem>>, vector<1x16xf32>,
      %get3A_381 = vector.shape_cast %get3A_380 : vector<1x16xf32> to vector<16xf32>
      %mul3A_382 = arith.mulf %add3A_157, %get3A_381 : vector<16xf32>
      %add3A_383 = arith.addf %add3A_374, %mul3A_382 : vector<16xf32>
      %mul3A_384 = arith.constant 16 : i32
      %mul3A_385 = arith.muli %scan3A_325, %mul3A_384 : i32
      %get3A_386 = arith.constant 6 : i32
      %get3A_387 = arith.index_cast %get3A_386 : i32 to index
      %get3A_388 = arith.index_cast %mul3A_385 : i32 to index
      %get3A_389 = tpu.vector_load %arg7[%get3A_387, %get3A_388] {strides = array<i32>} : memref<16x2048xf32, #tpu.memory_space<vmem>>, vector<1x16xf32>,
      %get3A_390 = vector.shape_cast %get3A_389 : vector<1x16xf32> to vector<16xf32>
      %mul3A_391 = arith.mulf %add3A_173, %get3A_390 : vector<16xf32>
      %add3A_392 = arith.addf %add3A_383, %mul3A_391 : vector<16xf32>
      %mul3A_393 = arith.constant 16 : i32
      %mul3A_394 = arith.muli %scan3A_325, %mul3A_393 : i32
      %get3A_395 = arith.constant 7 : i32
      %get3A_396 = arith.index_cast %get3A_395 : i32 to index
      %get3A_397 = arith.index_cast %mul3A_394 : i32 to index
      %get3A_398 = tpu.vector_load %arg7[%get3A_396, %get3A_397] {strides = array<i32>} : memref<16x2048xf32, #tpu.memory_space<vmem>>, vector<1x16xf32>,
      %get3A_399 = vector.shape_cast %get3A_398 : vector<1x16xf32> to vector<16xf32>
      %mul3A_400 = arith.mulf %add3A_189, %get3A_399 : vector<16xf32>
      %add3A_401 = arith.addf %add3A_392, %mul3A_400 : vector<16xf32>
      %mul3A_402 = arith.constant 16 : i32
      %mul3A_403 = arith.muli %scan3A_325, %mul3A_402 : i32
      %get3A_404 = arith.constant 8 : i32
      %get3A_405 = arith.index_cast %get3A_404 : i32 to index
      %get3A_406 = arith.index_cast %mul3A_403 : i32 to index
      %get3A_407 = tpu.vector_load %arg7[%get3A_405, %get3A_406] {strides = array<i32>} : memref<16x2048xf32, #tpu.memory_space<vmem>>, vector<1x16xf32>,
      %get3A_408 = vector.shape_cast %get3A_407 : vector<1x16xf32> to vector<16xf32>
      %mul3A_409 = arith.mulf %add3A_205, %get3A_408 : vector<16xf32>
      %add3A_410 = arith.addf %add3A_401, %mul3A_409 : vector<16xf32>
      %mul3A_411 = arith.constant 16 : i32
      %mul3A_412 = arith.muli %scan3A_325, %mul3A_411 : i32
      %get3A_413 = arith.constant 9 : i32
      %get3A_414 = arith.index_cast %get3A_413 : i32 to index
      %get3A_415 = arith.index_cast %mul3A_412 : i32 to index
      %get3A_416 = tpu.vector_load %arg7[%get3A_414, %get3A_415] {strides = array<i32>} : memref<16x2048xf32, #tpu.memory_space<vmem>>, vector<1x16xf32>,
      %get3A_417 = vector.shape_cast %get3A_416 : vector<1x16xf32> to vector<16xf32>
      %mul3A_418 = arith.mulf %add3A_221, %get3A_417 : vector<16xf32>
      %add3A_419 = arith.addf %add3A_410, %mul3A_418 : vector<16xf32>
      %mul3A_420 = arith.constant 16 : i32
      %mul3A_421 = arith.muli %scan3A_325, %mul3A_420 : i32
      %get3A_422 = arith.constant 10 : i32
      %get3A_423 = arith.index_cast %get3A_422 : i32 to index
      %get3A_424 = arith.index_cast %mul3A_421 : i32 to index
      %get3A_425 = tpu.vector_load %arg7[%get3A_423, %get3A_424] {strides = array<i32>} : memref<16x2048xf32, #tpu.memory_space<vmem>>, vector<1x16xf32>,
      %get3A_426 = vector.shape_cast %get3A_425 : vector<1x16xf32> to vector<16xf32>
      %mul3A_427 = arith.mulf %add3A_237, %get3A_426 : vector<16xf32>
      %add3A_428 = arith.addf %add3A_419, %mul3A_427 : vector<16xf32>
      %mul3A_429 = arith.constant 16 : i32
      %mul3A_430 = arith.muli %scan3A_325, %mul3A_429 : i32
      %get3A_431 = arith.constant 11 : i32
      %get3A_432 = arith.index_cast %get3A_431 : i32 to index
      %get3A_433 = arith.index_cast %mul3A_430 : i32 to index
      %get3A_434 = tpu.vector_load %arg7[%get3A_432, %get3A_433] {strides = array<i32>} : memref<16x2048xf32, #tpu.memory_space<vmem>>, vector<1x16xf32>,
      %get3A_435 = vector.shape_cast %get3A_434 : vector<1x16xf32> to vector<16xf32>
      %mul3A_436 = arith.mulf %add3A_253, %get3A_435 : vector<16xf32>
      %add3A_437 = arith.addf %add3A_428, %mul3A_436 : vector<16xf32>
      %mul3A_438 = arith.constant 16 : i32
      %mul3A_439 = arith.muli %scan3A_325, %mul3A_438 : i32
      %get3A_440 = arith.constant 12 : i32
      %get3A_441 = arith.index_cast %get3A_440 : i32 to index
      %get3A_442 = arith.index_cast %mul3A_439 : i32 to index
      %get3A_443 = tpu.vector_load %arg7[%get3A_441, %get3A_442] {strides = array<i32>} : memref<16x2048xf32, #tpu.memory_space<vmem>>, vector<1x16xf32>,
      %get3A_444 = vector.shape_cast %get3A_443 : vector<1x16xf32> to vector<16xf32>
      %mul3A_445 = arith.mulf %add3A_269, %get3A_444 : vector<16xf32>
      %add3A_446 = arith.addf %add3A_437, %mul3A_445 : vector<16xf32>
      %mul3A_447 = arith.constant 16 : i32
      %mul3A_448 = arith.muli %scan3A_325, %mul3A_447 : i32
      %get3A_449 = arith.constant 13 : i32
      %get3A_450 = arith.index_cast %get3A_449 : i32 to index
      %get3A_451 = arith.index_cast %mul3A_448 : i32 to index
      %get3A_452 = tpu.vector_load %arg7[%get3A_450, %get3A_451] {strides = array<i32>} : memref<16x2048xf32, #tpu.memory_space<vmem>>, vector<1x16xf32>,
      %get3A_453 = vector.shape_cast %get3A_452 : vector<1x16xf32> to vector<16xf32>
      %mul3A_454 = arith.mulf %add3A_285, %get3A_453 : vector<16xf32>
      %add3A_455 = arith.addf %add3A_446, %mul3A_454 : vector<16xf32>
      %mul3A_456 = arith.constant 16 : i32
      %mul3A_457 = arith.muli %scan3A_325, %mul3A_456 : i32
      %get3A_458 = arith.constant 14 : i32
      %get3A_459 = arith.index_cast %get3A_458 : i32 to index
      %get3A_460 = arith.index_cast %mul3A_457 : i32 to index
      %get3A_461 = tpu.vector_load %arg7[%get3A_459, %get3A_460] {strides = array<i32>} : memref<16x2048xf32, #tpu.memory_space<vmem>>, vector<1x16xf32>,
      %get3A_462 = vector.shape_cast %get3A_461 : vector<1x16xf32> to vector<16xf32>
      %mul3A_463 = arith.mulf %add3A_301, %get3A_462 : vector<16xf32>
      %add3A_464 = arith.addf %add3A_455, %mul3A_463 : vector<16xf32>
      %mul3A_465 = arith.constant 16 : i32
      %mul3A_466 = arith.muli %scan3A_325, %mul3A_465 : i32
      %get3A_467 = arith.constant 15 : i32
      %get3A_468 = arith.index_cast %get3A_467 : i32 to index
      %get3A_469 = arith.index_cast %mul3A_466 : i32 to index
      %get3A_470 = tpu.vector_load %arg7[%get3A_468, %get3A_469] {strides = array<i32>} : memref<16x2048xf32, #tpu.memory_space<vmem>>, vector<1x16xf32>,
      %get3A_471 = vector.shape_cast %get3A_470 : vector<1x16xf32> to vector<16xf32>
      %mul3A_472 = arith.mulf %add3A_317, %get3A_471 : vector<16xf32>
      %add3A_473 = arith.addf %add3A_464, %mul3A_472 : vector<16xf32>
      %mul3A_474 = arith.constant 16 : i32
      %mul3A_475 = arith.muli %scan3A_325, %mul3A_474 : i32
      %swap3A = arith.index_cast %mul3A_475 : i32 to index
      %swap3A_476 = tpu.vector_load %arg9[%swap3A] {strides = array<i32>} : memref<2048xf32, #tpu.memory_space<vmem>>, vector<16xf32>,
      %swap3A_477 = vector.shape_cast %swap3A_476 : vector<16xf32> to vector<16xf32>
      %swap3A_478 = vector.shape_cast %add3A_473 : vector<16xf32> to vector<16xf32>
      tpu.vector_store %arg9[%swap3A], %swap3A_478 {strides = array<i32>} : memref<2048xf32, #tpu.memory_space<vmem>>, vector<16xf32>,
    }
    %scan3A_323 = arith.constant 128 : i32
    %scan3A_324 = arith.constant 1 : i32
    "tpu.region"() ({
      %run_scoped3A = tpu.sem_alloc : memref<!tpu.dma_semaphore, #tpu.memory_space<semaphore_mem>>
      %dma_start3A = arith.constant 0 : i32
      %dma_start3A_325 = tpu.memref_slice %arg5[%add3A, %dma_start3A] : memref<32x2048xf32, #tpu.memory_space<hbm>> -> memref<1x2048xf32, #tpu.memory_space<hbm>>
      %dma_start3A_326 = tpu.memref_squeeze %dma_start3A_325 : memref<1x2048xf32, #tpu.memory_space<hbm>> -> memref<2048xf32, #tpu.memory_space<hbm>>
      %dma_start3A_327 = arith.constant 0 : i32
      %dma_start3A_328 = tpu.memref_slice %arg5[%add3A, %dma_start3A_327] : memref<32x2048xf32, #tpu.memory_space<hbm>> -> memref<1x2048xf32, #tpu.memory_space<hbm>>
      %dma_start3A_329 = tpu.memref_squeeze %dma_start3A_328 : memref<1x2048xf32, #tpu.memory_space<hbm>> -> memref<2048xf32, #tpu.memory_space<hbm>>
      tpu.enqueue_dma source(%arg9 : memref<2048xf32, #tpu.memory_space<vmem>>) target(%dma_start3A_329 : memref<2048xf32, #tpu.memory_space<hbm>>) target_semaphore(%run_scoped3A : memref<!tpu.dma_semaphore, #tpu.memory_space<semaphore_mem>>)
      %dma_wait3A = arith.constant 0 : i32
      %dma_wait3A_330 = tpu.memref_slice %arg5[%add3A, %dma_wait3A] : memref<32x2048xf32, #tpu.memory_space<hbm>> -> memref<1x2048xf32, #tpu.memory_space<hbm>>
      %dma_wait3A_331 = tpu.memref_squeeze %dma_wait3A_330 : memref<1x2048xf32, #tpu.memory_space<hbm>> -> memref<2048xf32, #tpu.memory_space<hbm>>
      %dma_wait3A_332 = arith.constant 0 : i32
      %dma_wait3A_333 = tpu.memref_slice %arg5[%add3A, %dma_wait3A_332] : memref<32x2048xf32, #tpu.memory_space<hbm>> -> memref<1x2048xf32, #tpu.memory_space<hbm>>
      %dma_wait3A_334 = tpu.memref_squeeze %dma_wait3A_333 : memref<1x2048xf32, #tpu.memory_space<hbm>> -> memref<2048xf32, #tpu.memory_space<hbm>>
      tpu.wait_dma2 semaphore(%run_scoped3A : memref<!tpu.dma_semaphore, #tpu.memory_space<semaphore_mem>>) src(%arg9 : memref<2048xf32, #tpu.memory_space<vmem>>) dst(%dma_wait3A_334 : memref<2048xf32, #tpu.memory_space<hbm>>)
      tpu.yield
    }) : () -> ()
    return
  }
}

module attributes {stable_mosaic.version = 14 : i64} {
  func.func @_tc_body(%arg0: i32, %arg1: memref<1x2048xf32, #tpu.memory_space<vmem>>, %arg2: memref<512x2048xf32, #tpu.memory_space<vmem>>, %arg3: memref<512x2048xf32, #tpu.memory_space<vmem>>, %arg4: memref<1x2048xf32, #tpu.memory_space<vmem>>, %arg5: memref<1x2048xf32, #tpu.memory_space<vmem>>) attributes {dimension_semantics = [#tpu.dimension_semantics<arbitrary>], iteration_bounds = array<i64: 3>, scalar_prefetch = 0 : i64, scratch_operands = 1 : i64, tpu.core_type = #tpu.core_type<tc>, window_params = [{pipeline_mode = #tpu.pipeline_mode<synchronous>, transform_indices = @transform_0, window_bounds = array<i64: 1, 2048>}, {transform_indices = @transform_1, window_bounds = array<i64: 512, 2048>}, {transform_indices = @transform_2, window_bounds = array<i64: 512, 2048>}, {pipeline_mode = #tpu.pipeline_mode<synchronous>, transform_indices = @transform_3, window_bounds = array<i64: 1, 2048>}]} {
    %eq3A = arith.constant 0 : i32
    %eq3A_0 = arith.cmpi eq, %arg0, %eq3A : i32
    %convert_element_type3A = arith.extui %eq3A_0 : i1 to i32
    %cond3A = arith.constant 0 : i32
    %cond3A_1 = arith.cmpi ne, %convert_element_type3A, %cond3A : i32
    scf.if %cond3A_1 {
      %broadcast_in_dim3A = arith.constant 0.000000e+00 : f32
      %broadcast_in_dim3A_23 = vector.broadcast %broadcast_in_dim3A : f32 to vector<1x2048xf32>
      %swap3A_24 = arith.constant 0 : index
      %swap3A_25 = arith.constant 0 : index
      %swap3A_26 = vector.load %arg5[%swap3A_24, %swap3A_25] : memref<1x2048xf32, #tpu.memory_space<vmem>>, vector<1x2048xf32>
      tpu.vector_store %arg5[%swap3A_24, %swap3A_25], %broadcast_in_dim3A_23 {strides = array<i32>} : memref<1x2048xf32, #tpu.memory_space<vmem>>, vector<1x2048xf32>,
    } else {
    }
    %get3A = arith.constant 0 : index
    %get3A_2 = arith.constant 0 : index
    %get3A_3 = vector.load %arg1[%get3A, %get3A_2] : memref<1x2048xf32, #tpu.memory_space<vmem>>, vector<1x2048xf32>
    %get3A_4 = arith.constant 0 : index
    %get3A_5 = arith.constant 0 : index
    %get3A_6 = vector.load %arg2[%get3A_4, %get3A_5] : memref<512x2048xf32, #tpu.memory_space<vmem>>, vector<512x2048xf32>
    %dot_general3A = arith.constant dense<0.000000e+00> : vector<1x512xf32>
    %dot_general3A_7 = tpu.matmul %get3A_3, %get3A_6, %dot_general3A {dimension_numbers = #tpu.dot_dimension_numbers<[1], [1], [0], [0], [0, 0, 1, 0], [], []>, transpose_lhs_hint = false} : vector<1x2048xf32>, vector<512x2048xf32>, vector<1x512xf32> -> vector<1x512xf32>
    %get3A_8 = arith.constant 0 : index
    %get3A_9 = arith.constant 0 : index
    %get3A_10 = vector.load %arg5[%get3A_8, %get3A_9] : memref<1x2048xf32, #tpu.memory_space<vmem>>, vector<1x2048xf32>
    %get3A_11 = arith.constant 0 : index
    %get3A_12 = arith.constant 0 : index
    %get3A_13 = vector.load %arg3[%get3A_11, %get3A_12] : memref<512x2048xf32, #tpu.memory_space<vmem>>, vector<512x2048xf32>
    %dot_general3A_14 = arith.constant dense<0.000000e+00> : vector<1x2048xf32>
    %dot_general3A_15 = tpu.matmul %dot_general3A_7, %get3A_13, %dot_general3A_14 {dimension_numbers = #tpu.dot_dimension_numbers<[1], [0], [0], [1], [0, 0, 1, 1], [], []>, transpose_lhs_hint = false} : vector<1x512xf32>, vector<512x2048xf32>, vector<1x2048xf32> -> vector<1x2048xf32>
    %add3A = arith.addf %get3A_10, %dot_general3A_15 : vector<1x2048xf32>
    %swap3A = arith.constant 0 : index
    %swap3A_16 = arith.constant 0 : index
    %swap3A_17 = vector.load %arg5[%swap3A, %swap3A_16] : memref<1x2048xf32, #tpu.memory_space<vmem>>, vector<1x2048xf32>
    tpu.vector_store %arg5[%swap3A, %swap3A_16], %add3A {strides = array<i32>} : memref<1x2048xf32, #tpu.memory_space<vmem>>, vector<1x2048xf32>,
    %eq3A_18 = arith.constant 2 : i32
    %eq3A_19 = arith.cmpi eq, %arg0, %eq3A_18 : i32
    %convert_element_type3A_20 = arith.extui %eq3A_19 : i1 to i32
    %cond3A_21 = arith.constant 0 : i32
    %cond3A_22 = arith.cmpi ne, %convert_element_type3A_20, %cond3A_21 : i32
    scf.if %cond3A_22 {
      %get3A_23 = arith.constant 0 : index
      %get3A_24 = arith.constant 0 : index
      %get3A_25 = vector.load %arg5[%get3A_23, %get3A_24] : memref<1x2048xf32, #tpu.memory_space<vmem>>, vector<1x2048xf32>
      %swap3A_26 = arith.constant 0 : index
      %swap3A_27 = arith.constant 0 : index
      %swap3A_28 = vector.load %arg4[%swap3A_26, %swap3A_27] : memref<1x2048xf32, #tpu.memory_space<vmem>>, vector<1x2048xf32>
      tpu.vector_store %arg4[%swap3A_26, %swap3A_27], %get3A_25 {strides = array<i32>} : memref<1x2048xf32, #tpu.memory_space<vmem>>, vector<1x2048xf32>,
    } else {
    }
    return
  }
  func.func @transform_0(%arg0: i32) -> (i32, i32) {
    %c0_i32 = arith.constant 0 : i32
    %c0_i32_0 = arith.constant 0 : i32
    %c0_i32_1 = arith.constant 0 : i32
    return %c0_i32, %c0_i32_0 : i32, i32
  }
  func.func @transform_1(%arg0: i32) -> (i32, i32) {
    %c0_i32 = arith.constant 0 : i32
    %c0_i32_0 = arith.constant 0 : i32
    return %arg0, %c0_i32 : i32, i32
  }
  func.func @transform_2(%arg0: i32) -> (i32, i32) {
    %c0_i32 = arith.constant 0 : i32
    %c0_i32_0 = arith.constant 0 : i32
    return %arg0, %c0_i32 : i32, i32
  }
  func.func @transform_3(%arg0: i32) -> (i32, i32) {
    %c0_i32 = arith.constant 0 : i32
    %c0_i32_0 = arith.constant 0 : i32
    %c0_i32_1 = arith.constant 0 : i32
    return %c0_i32, %c0_i32_0 : i32, i32
  }
}

module attributes {stable_mosaic.version = 14 : i64} {
  func.func @_fin_body(%arg0: memref<1x2048xf32, #tpu.memory_space<vmem>>, %arg1: memref<32x2048xf32, #tpu.memory_space<vmem>>, %arg2: memref<64x2048xf32, #tpu.memory_space<vmem>>, %arg3: memref<1x64xf32, #tpu.memory_space<vmem>>) attributes {dimension_semantics = [], scalar_prefetch = 0 : i64, scratch_operands = 0 : i64, tpu.core_type = #tpu.core_type<tc>} {
    %get3A = arith.constant 0 : index
    %get3A_0 = arith.constant 0 : index
    %get3A_1 = vector.load %arg0[%get3A, %get3A_0] : memref<1x2048xf32, #tpu.memory_space<vmem>>, vector<1x2048xf32>
    %get3A_2 = arith.constant 0 : index
    %get3A_3 = arith.constant 0 : index
    %get3A_4 = vector.load %arg1[%get3A_2, %get3A_3] : memref<32x2048xf32, #tpu.memory_space<vmem>>, vector<32x2048xf32>
    %reduce_sum3A = arith.constant dense<0.000000e+00> : vector<2048xf32>
    %reduce_sum3A_5 = vector.multi_reduction <add>, %get3A_4, %reduce_sum3A [0] : vector<32x2048xf32> to vector<2048xf32>
    %broadcast_in_dim3A = vector.shape_cast %reduce_sum3A_5 : vector<2048xf32> to vector<1x2048xf32>
    %add3A = arith.addf %get3A_1, %broadcast_in_dim3A : vector<1x2048xf32>
    %get3A_6 = arith.constant 0 : index
    %get3A_7 = arith.constant 0 : index
    %get3A_8 = vector.load %arg2[%get3A_6, %get3A_7] : memref<64x2048xf32, #tpu.memory_space<vmem>>, vector<64x2048xf32>
    %dot_general3A = arith.constant dense<0.000000e+00> : vector<1x64xf32>
    %dot_general3A_9 = tpu.matmul %add3A, %get3A_8, %dot_general3A {dimension_numbers = #tpu.dot_dimension_numbers<[1], [1], [0], [0], [0, 0, 1, 0], [], []>, transpose_lhs_hint = false} : vector<1x2048xf32>, vector<64x2048xf32>, vector<1x64xf32> -> vector<1x64xf32>
    %mul3A = arith.constant 0.0220970865 : f32
    %mul3A_10 = vector.broadcast %mul3A : f32 to vector<1x64xf32>
    %mul3A_11 = arith.mulf %dot_general3A_9, %mul3A_10 : vector<1x64xf32>
    %reduce_max3A = arith.constant dense<0xFF800000> : vector<1xf32>
    %reduce_max3A_12 = vector.multi_reduction <maximumf>, %mul3A_11, %reduce_max3A [1] : vector<1x64xf32> to vector<1xf32>
    %broadcast_in_dim3A_13 = vector.shape_cast %reduce_max3A_12 : vector<1xf32> to vector<1x1xf32>
    %sub3A = vector.broadcast %broadcast_in_dim3A_13 : vector<1x1xf32> to vector<1x64xf32>
    %sub3A_14 = arith.subf %mul3A_11, %sub3A : vector<1x64xf32>
    %exp3A = math.exp %sub3A_14 : vector<1x64xf32>
    %reduce_sum3A_15 = arith.constant dense<0.000000e+00> : vector<1xf32>
    %reduce_sum3A_16 = vector.multi_reduction <add>, %exp3A, %reduce_sum3A_15 [1] : vector<1x64xf32> to vector<1xf32>
    %broadcast_in_dim3A_17 = vector.shape_cast %reduce_sum3A_16 : vector<1xf32> to vector<1x1xf32>
    %div3A = vector.broadcast %broadcast_in_dim3A_17 : vector<1x1xf32> to vector<1x64xf32>
    %div3A_18 = arith.divf %exp3A, %div3A : vector<1x64xf32>
    %swap3A = arith.constant 0 : index
    %swap3A_19 = arith.constant 0 : index
    %swap3A_20 = vector.load %arg3[%swap3A, %swap3A_19] : memref<1x64xf32, #tpu.memory_space<vmem>>, vector<1x64xf32>
    tpu.vector_store %arg3[%swap3A, %swap3A_19], %div3A_18 {strides = array<i32>} : memref<1x64xf32, #tpu.memory_space<vmem>>, vector<1x64xf32>,
    return
  }
}

</mosaic_0001>

<sc_bundles>
// kernel: kernel.5.cloned.1.call-start
scs
__scs_entry_jumppad:
0x0: {  	(pc) =	sbr.rel $0x88, $3  }
0x1: {  	(tag) =	ssettag $0x0;
	lr =	simm.s32 $0x1  }
0x2: {  	[smem:$0x3F9D] =	sst lr;
	_ =	strace $0xD0000000  }
0x3: {  	_ = 	snop  }
0x4: {  	_ = 	snop  }
0x5: {  	_ = 	snop  }
0x6: {  	_ = 	snop  }
0x7: {  	_ = 	snop  }
__scs_overlays_trampoline_lowered:
0x8: {  	[smem:$0x3FAC] =	sst s0  }
0x9: {  	[smem:$0x3FAD] =	sst s1  }
0xa: {  	[smem:$0x3FAE] =	sst s2  }
0xb: {  	[smem:$0x3FAF] =	sst s3  }
0xc: {  	[smem:$0x3FB0] =	sst s4  }
0xd: {  	[smem:$0x3FB1] =	sst s5  }
0xe: {  	[smem:$0x3FB2] =	sst s6  }
0xf: {  	[smem:$0x3FB3] =	sst s7  }
0x10: {  	[smem:$0x3FB4] =	sst s8  }
0x11: {  	[smem:$0x3FB5] =	sst s9;
	s0 =	simm.s32 @!p0 $0x0  }
0x12: {  	s1 =	sld [smem:$0x3F9B];
	s0 =	simm.s32 @p0 $0x1  }
0x13: {  	[smem:$0x3FB6] =	sst s0;
	s0 =	simm.s32 @!p1 $0x0  }
0x14: {  	s2 =	sld [smem:$0x3F9A];
	s0 =	simm.s32 @p1 $0x1  }
0x15: {  	[smem:$0x3FB7] =	sst s0;
	s0 =	simm.s32 @!p2 $0x0  }
0x16: {  	s3 =	sld [smem:$0x3FDB];
	s0 =	simm.s32 @p2 $0x1  }
0x17: {  	s4 =	simm.s32 $0x1BF5;
	[smem:$0x3FB9] =	sst s0  }
0x18: {  	s0 =	sld [smem:$0x3F9C];
	_ =	swait.ge [sflag:s4], $0x0  }
0x19: {  	s7 =	sld [smem:$0x3F9D]  }
0x1a: {  	s8 =	sadd.s32 $0xFFFFE003, lr  }
0x1b: {  	s9 =	sadd.s32 $0xFFFFFEF7, lr;
	s5 =	simm.s32 $0xFFFFFFFF;
	p2 =	slt.u32 s8, $0xFFFFF086  }
0x1c: {  	p1 =	slt.u32 s9, $0xF7A;
	s5 =	simm.s32 @!p2 $0x0  }
0x1d: {  	s5 =	simm.s32 @p1 $0x1;
	p0 =	seq.s32 s7, s2  }
0x1e: {  	s7 =	smul.u32 @!p0 $0xF7A, s2;
	p2 =	seq.s32 @!p0 s5, $0x0  }
0x1f: {  	s9 =	smul.u32 $0xF7A, s1;
	s8 =	simm.s32 @!p0 $0x1BF5;
	p2 =	por !p2, p0  }
0x20: {  	[sflag:s8] =	ssyncset.s32 @!p0 $0xFFFFF086;
	s6 =	sadd.s32 @!p0 s3, s7;
	s7 =	simm.s32 @!p0 $0x108  }
0x21: {  	s3 =	sadd.s32 s3, s9;
	s6 =	sadd.s32 @!p0 $0x88, s6;
	s7 =	simm.s32 @p2 $0x1082  }
0x22: {  	[simem:s7], [sflag:s8] =	dma.local @!p0 [hbm:s6], $0xF7A  }
0x23: {  	s9 =	sor.u32 $0xD0000000, s2;
	s6 =	simm.s32 $0x108;
	_ =	swait.ge @!p0 [sflag:s8], $0x0  }
0x24: {  	s3 =	sadd.s32 $0x88, s3;
	s6 =	simm.s32 @!p1 $0x1082;
	[sflag:s4] =	ssyncset.s32 $0xFFFFF086  }
0x25: {  	[simem:s6], [sflag:s4] =	dma.local [hbm:s3], $0xF7A  }
0x26: {  	[smem:$0x3F9D] =	sst s1;
	(tag) =	ssettag s2;
	_ =	strace s9  }
0x27: {  	s1 =	sld [smem:$0x3FAD]  }
0x28: {  	s2 =	sld [smem:$0x3FAE]  }
0x29: {  	s4 =	sld [smem:$0x3FB0]  }
0x2a: {  	p0 =	seq.s32 s5, $0x0;
	s5 =	sld [smem:$0x3FB1]  }
0x2b: {  	s6 =	sld [smem:$0x3FB2]  }
0x2c: {  	s7 =	sld [smem:$0x3FB3]  }
0x2d: {  	s3 =	simm.s32 $0x108;
	s8 =	sld [smem:$0x3FB4]  }
0x2e: {  	s3 =	simm.s32 @!p0 $0x1082;
	s9 =	sld [smem:$0x3FB5]  }
0x2f: {  	lr =	sadd.s32 s0, s3;
	s0 =	sld [smem:$0x3FAC]  }
0x30: {  	s3 =	sld [smem:$0x3FAF]  }
0x31: {  	[smem:$0x3FB8] =	sst s10  }
0x32: {  	s10 =	sld [smem:$0x3FB6];
	_ =	sdelay $0x3  }
0x33: {  	p0 =	seq.s32 s10, $0x1;
	s10 =	sld [smem:$0x3FB8];
	_ =	sdelay $0x3  }
0x34: {  	[smem:$0x3FB8] =	sst s10  }
0x35: {  	s10 =	sld [smem:$0x3FB7];
	_ =	sdelay $0x3  }
0x36: {  	p1 =	seq.s32 s10, $0x1;
	s10 =	sld [smem:$0x3FB8];
	_ =	sdelay $0x3  }
0x37: {  	[smem:$0x3FB8] =	sst s10  }
0x38: {  	s10 =	sld [smem:$0x3FB9]  }
0x39: {  	_ = 	snop;
	(pc) =	sbr.ind lr, $3  }
0x3a: {  	_ = 	snop  }
0x3b: {  	_ = 	snop  }
0x3c: {  	p2 =	seq.s32 s10, $0x1;
	s10 =	sld [smem:$0x3FB8]  }
0x3d: {  	_ =	shalt  }
0x3e: {  	_ =	shalt  }
0x3f: {  	_ =	shalt  }
0x40: {  	_ =	shalt  }
0x41: {  	_ =	shalt  }
0x42: {  	_ =	shalt  }
0x43: {  	_ =	shalt  }
0x44: {  	_ =	shalt  }
0x45: {  	_ =	shalt  }
0x46: {  	_ =	shalt  }
0x47: {  	_ =	shalt  }
0x48: {  	_ =	shalt  }
0x49: {  	_ =	shalt  }
0x4a: {  	_ =	shalt  }
0x4b: {  	_ =	shalt  }
0x4c: {  	_ =	shalt  }
0x4d: {  	_ =	shalt  }
0x4e: {  	_ =	shalt  }
0x4f: {  	_ =	shalt  }
0x50: {  	_ =	shalt  }
0x51: {  	_ =	shalt  }
0x52: {  	_ =	shalt  }
0x53: {  	_ =	shalt  }
0x54: {  	_ =	shalt  }
0x55: {  	_ =	shalt  }
0x56: {  	_ =	shalt  }
0x57: {  	_ =	shalt  }
0x58: {  	_ =	shalt  }
0x59: {  	_ =	shalt  }
0x5a: {  	_ =	shalt  }
0x5b: {  	_ =	shalt  }
0x5c: {  	_ =	shalt  }
0x5d: {  	_ =	shalt  }
0x5e: {  	_ =	shalt  }
0x5f: {  	_ =	shalt  }
0x60: {  	_ =	shalt  }
0x61: {  	_ =	shalt  }
0x62: {  	_ =	shalt  }
0x63: {  	_ =	shalt  }
0x64: {  	_ =	shalt  }
0x65: {  	_ =	shalt  }
0x66: {  	_ =	shalt  }
0x67: {  	_ =	shalt  }
0x68: {  	_ =	shalt  }
0x69: {  	_ =	shalt  }
0x6a: {  	_ =	shalt  }
0x6b: {  	_ =	shalt  }
0x6c: {  	_ =	shalt  }
0x6d: {  	_ =	shalt  }
0x6e: {  	_ =	shalt  }
0x6f: {  	_ =	shalt  }
0x70: {  	_ =	shalt  }
0x71: {  	_ =	shalt  }
0x72: {  	_ =	shalt  }
0x73: {  	_ =	shalt  }
0x74: {  	_ =	shalt  }
0x75: {  	_ =	shalt  }
0x76: {  	_ =	shalt  }
0x77: {  	_ =	shalt  }
0x78: {  	_ =	shalt  }
0x79: {  	_ =	shalt  }
0x7a: {  	_ =	shalt  }
0x7b: {  	_ =	shalt  }
0x7c: {  	_ =	shalt  }
0x7d: {  	_ =	shalt  }
0x7e: {  	_ =	shalt  }
0x7f: {  	_ =	shalt  }
0x80: {  	_ =	shalt  }
0x81: {  	_ =	shalt  }
0x82: {  	_ =	shalt  }
0x83: {  	_ =	shalt  }
0x84: {  	_ =	shalt  }
0x85: {  	_ =	shalt  }
0x86: {  	_ =	shalt  }
0x87: {  	_ =	shalt  }
.Lfunc_end0:
.L_simem_size_0:
called_computation_lowered:
.L_overlay_start_0:
0x88: {  	s2 =	sld [smem:$0x3FD9]  }
0x89: {  	s3 =	sld [smem:$0x3FFE];
	_ =	sdelay $0x1  }
0x8a: {  	s1 =	srdreg.scid  }
0x8b: {  	s0 =	sand.u32 $0x1, s1  }
0x8c: {  	s17 =	sshll.u32 s0, $0xA;
	s2 =	sadd.s32 s3, s2  }
0x8d: {  	s2 =	sadd.s32 s2, s17  }
0x8e: {  	[smem:$0x3FC4] =	sst s2  }
0x8f: {  	_ = 	snop  }
0x90: {  	s2 =	sld [smem:$0x3FC9]  }
0x91: {  	s18 =	sld [smem:$0x3FC7]  }
0x92: {  	s4 =	sld [smem:$0x3FC6];
	(tm) =	ssettm $0x1  }
0x93: {  	s5 =	sld [smem:$0x3FFB];
	_ =	sdelay $0x3  }
0x94: {  	_ =	strace s5  }
0x95: {  	s5 =	sld [smem:$0x3FFC];
	_ =	sdelay $0x3  }
0x96: {  	_ =	strace s5  }
0x97: {  	s5 =	sld [smem:$0x3FFD];
	_ =	sdelay $0x3  }
0x98: {  	_ =	strace s5  }
0x99: {  	_ =	strace $0x8FFFFFFF  }
0x9a: {  	s19 =	sld [smem:$0x3FDB];
	_ =	sdelay $0x1  }
0x9b: {  	s6 =	simm.s32 $_scs_section_size  }
0x9c: {  	s7 =	simm.s32 $_size__tile_overlayer_lowered;
	s8 =	simm.s32 $_tile_overlayer_lowered  }
0x9d: {  	s22 =	simm.s32 $0x1BFF;
	s21 =	sshll.u32 s8, $0x1;
	s5 =	sadd.s32 s6, s19  }
0x9e: {  	s9 =	simm.s32 $0x0;
	s20 =	sshll.u32 s7, $0x1;
	s7 =	sadd.s32 s21, s5  }
0x9f: {  	[timem:s9], [sflag:s22] =	dma.local [hbm:s7], s20  }
0xa0: {  	_ =	swait.ge [sflag:s22], s20  }
0xa1: {  	s6 =	ssub.s32 $0x0, s20;
	[sflag:s22] =	ssyncset.done $0x0  }
0xa2: {  	[sflag:s22] =	ssyncadd.s32 s6;
	_ =	sdelay $0x1  }
0xa3: {  	s23 =	simm.s32 $0x1B8B  }
0xa4: {  	_ =	swait.ge [sflag:s23], $0x1  }
0xa5: {  	[sflag:s23] =	ssyncset.done $0x0  }
0xa6: {  	s25 =	simm.s32 $0x1B8E;
	s24 =	sld [smem:$0x3FFE];
	[sflag:s23] =	ssyncadd.s32 $0xFFFFFFFF  }
0xa7: {  	s26 =	simm.s32 $execute0_lowered;
	[smem:$0x3FD2] =	sst s25  }
0xa8: {  	s7 =	sshll.u32 s26, $0x1;
	_ =	strace $0x80000046;
	[dreg:$0x1] =	wrdreg $0xFFFFFFFF  }
0xa9: {  	s28 =	simm.s32 $_size_execute0_lowered;
	s5 =	sadd.s32 s5, s7;
	[dreg:$0x0] =	wrdreg $0x0  }
0xaa: {  	s7 =	sshll.u32 s28, $0x1;
	[dreg:$0x2] =	wrdreg s5  }
0xab: {  	[dreg:$0x3] =	wrdreg s7  }
0xac: {  	[dreg:$0x4] =	wrdreg $0xC0  }
0xad: {  	_ =	task [dreg:s9], $0x5FFFF  }
0xae: {  	[dreg:$0x1] =	wrdreg $0xFFFFFFFF  }
0xaf: {  	[dreg:$0x0] =	wrdreg $0x60  }
0xb0: {  	[dreg:$0x2] =	wrdreg s18  }
0xb1: {  	[dreg:$0x3] =	wrdreg s4  }
0xb2: {  	[dreg:$0x4] =	wrdreg s2  }
0xb3: {  	[dreg:$0x5] =	wrdreg s24  }
0xb4: {  	[dreg:$0x6] =	wrdreg $0x9  }
0xb5: {  	_ =	task.clear_ibuf [dreg:s9], $0x7FFFF;
	_ =	strace $0x90000046  }
0xb6: {  	s29 =	simm.s32 $0x9;
	_ =	strace $0x80000048  }
0xb7: {  	_ =	swait.ge [sflag:s29], $0x1  }
0xb8: {  	[sflag:s29] =	ssyncadd.s32 $0xFFFFFFFF  }
0xb9: {  	_ =	strace $0x90000048  }
0xba: {  	_ =	sfence  }
0xbb: {  	s30 =	sld [smem:$0x0];
	_ =	sdelay $0x2  }
0xbc: {  	s31 =	sshll.u32 s1, $0xD;
	s1 =	sshrl.u32 s1, $0x2  }
0xbd: {  	s3 =	sand.u32 $0x4000, s31;
	s1 =	sadd.s32 s1, s30  }
0xbe: {  	s0 =	sor.u32 s3, s0;
	s1 =	sshll.u32 s1, $0x11  }
0xbf: {  	s0 =	sor.u32 s1, s0  }
0xc0: {  	s0 =	sadd.s32 $0x8F2B, s0  }
0xc1: {  	[sflag:s0] =	ssyncadd.remote.s32 $0x1  }
0xc2: {  	_ =	sfence.sel $0xFFFF  }
0xc3: {  	[dreg:$0x0] =	wrdreg $0xFFFFFFFF;
	(pc) =	sbr.abs _section_cstart, $3  }
0xc4: {  	[dreg:$0x1] =	wrdreg $0xFFFFFFFF  }
0xc5: {  	_ =	task.clear_ibuf [dreg:s9], $0x2FFFF;
	_ =	strace $0x9FFFFFFF  }
0xc6: {  	(tm) =	ssettm $0x7FFFFFFF  }
0xc7: {  	_ =	shalt  }
tec
execute0_lowered:
.L_overlay_start_1:
0x0: {  	(tag) =	ssettag $0x1  }
0x1: {  	s4 =	rddreg [dreg:$0x0]  }
0x2: {  	s5 =	rddreg [dreg:$0x1]  }
0x3: {  	s1 =	rddreg [dreg:$0x2]  }
0x4: {  	v0 =	vimm.s32 $0xEFCDAB89;
	s6 =	rddreg [dreg:$0x3]  }
0x5: {  	v1 =	vimm.s32 $0x67452301;
	v2 =	vimm.s32 $0xDCFE98BA;
	s0 =	rddreg [dreg:$0x4];
	v3 =	vimm.s32 $0x54761032  }
0x6: {  	s3 =	simm.s32 $0x0;
	s2 =	stileid.u32;
	s8 =	srdreg.scid;
	v4 =	vimm.s32 $0xBA98FEDC;
	v5 =	vimm.s32 $0x32107654;
	v6 =	vimm.s32 $0xFEDCBA98  }
0x7: {  	v7 =	vimm.s32 $0x76543210;
	s11 =	simm.s32 $0x80;
	s12 =	simm.s32 $0x400;
	s13 =	simm.s32 $0x10800;
	v0 =	vunpack.c.l.s4.s8 v0;
	v1 =	vunpack.c.l.s4.s8 v1  }
0x8: {  	s14 =	simm.s32 $0x0;
	v2 =	vunpack.c.l.s4.s8 v2;
	[smem:$0x7FF] =	sst s3;
	s7 =	sshll.u32 s2, $0x9;
	v3 =	vunpack.c.l.s4.s8 v3;
	v4 =	vunpack.c.l.s4.s8 v4  }
0x9: {  	s8 =	sand.u32 $0x1, s8;
	s9 =	sshll.u32 s2, $0x1;
	v5 =	vunpack.c.l.s4.s8 v5;
	v6 =	vunpack.c.l.s4.s8 v6;
	v7 =	vunpack.c.l.s4.s8 v7;
	_ =	strace $0x80000047  }
0xa: {  	s7 =	sand.u32 $0x1800, s7;
	s29 =	ssub.s32 $0x2, s8;
	s8 =	sor.u32 s8, s9;
	v0 =	vunpack.c.0.s8.s32 v0;
	v1 =	vunpack.c.0.s8.s32 v1;
	v2 =	vunpack.c.0.s8.s32 v2  }
0xb: {  	s9 =	simm.s32 $0x1;
	s6 =	sadd.s32 s7, s6;
	s30 =	sshrl.u32 s29, $0x1;
	v3 =	vunpack.c.0.s8.s32 v3;
	v4 =	vunpack.c.0.s8.s32 v4;
	v5 =	vunpack.c.0.s8.s32 v5  }
0xc: {  	s10 =	sshll.u32 s8, $0xC;
	s8 =	sshll.u32 s8, $0x4;
	v6 =	vunpack.c.0.s8.s32 v6;
	s7 =	ssub.s32 s29, s30;
	v1 =	vcombine.low v1, v0  }
0xd: {  	s31 =	sor.u32 $0x60000, s10;
	s8 =	sand.u32 $0x70, s8;
	s10 =	simm.s32 $0x8000;
	v2 =	vcombine.low v3, v2;
	v3 =	vcombine.low v5, v4;
	v4 =	vunpack.c.0.s8.s32 v7  }
0xe: {  	s4 =	sadd.s32 s4, s31;
	s5 =	sadd.s32 s5, s31;
	s6 =	sadd.s32 s8, s6;
	v0 =	vimm.f32 $0.0e+00;
	v5 =	vand.u32 $0xF, v6;
	v1 =	vand.u32 $0xF, v1  }
0xf: {  	s7 =	smax.u32 s7, $0x1;
	s8 =	simm.s32 $0x10000;
	s6 =	sadd.s32 $0xC00, s6;
	v2 =	vand.u32 $0xF, v2;
	v3 =	vand.u32 $0xF, v3;
	v4 =	vcombine.low v5, v4  }
.LBB2_1:
0x10: {  	[tilespmem:s8], [sflag:$0x1] =	stream.linear.gather [hbm4b:s1+s3], $0x800, $0x38;
	[tilespmem:$0x11000] =	vst v63  }
0x11: {  	_ =	swait.ge [sflag:s9], $0x800  }
0x12: {  	[sflag:s9] =	ssyncset.done $0x0  }
0x13: {  	s15 =	simm.s32 $0x40;
	s16 =	simm.s32 $0x0;
	[sflag:s9] =	ssyncadd.s32 $0xFFFFF800  }
.LBB2_2:
0x14: {  	p0 =	sne.s32 s15, $0x1FC0;
	[tilespmem:s16+$0x10800] =	vst v0;
	s16 =	smov.u32 s15;
	s15 =	sadd.s32 $0x40, s15  }
.Ltmp0:
0x15: {  	(pc) =	sbr.rel @p0 .LBB2_2-.Ltmp0, $2  }
0x16: {  	_ =	sdelay $0x2  }
0x17: {  	s16 =	sshra.s32 s16, $0x2  }
0x18: {  	[tilespmem:s16+$0x10800] =	vst v0;
	s15 =	simm.s32 $0x0  }
0x19: {  	[tilespmem:s15], [sflag:$0x1] =	stream.linear.gather [hbm4b:s4+s15], $0x8000, $0x38;
	[tilespmem:$0x11000] =	vst v63  }
0x1a: {  	_ =	swait.ge [sflag:s9], $0x8000  }
0x1b: {  	[sflag:s9] =	ssyncset.done $0x0  }
0x1c: {  	[sflag:s9] =	ssyncadd.s32 $0xFFFF8000  }
0x1d: {  	[tilespmem:s10], [sflag:$0x1] =	stream.linear.gather [hbm4b:s5+s15], $0x8000, $0x38;
	[tilespmem:$0x11000] =	vst v63  }
0x1e: {  	s30 =	sand.u32 $0x7, s15;
	_ =	swait.ge [sflag:s9], $0x8000  }
0x1f: {  	s17 =	sshll.u32 s30, $0x4;
	[sflag:s9] =	ssyncset.done $0x0  }
0x20: {  	s16 =	simm.s32 $0x10000;
	s17 =	sadd.s32 $0x0, s17;
	[sflag:s9] =	ssyncadd.s32 $0xFFFF8000  }
0x21: {  	s18 =	sand.u32 $0x70, s15;
	s19 =	sand.u32 $0x3C00, s15;
	s20 =	sor.u32 $0x380, s17;
	v5 =	vld [tilespmem:s16+$0x0]  }
0x22: {  	s17 =	sor.u32 s18, s19;
	v6 =	vld [tilespmem:s20+$0x0]  }
0x23: {  	v7 =	vld [tilespmem:s17+$0x0]  }
0x24: {  	v8 =	vld [tilespmem:s17+$0x80]  }
0x25: {  	v9 =	vld [tilespmem:s17+$0x100]  }
0x26: {  	v14 =	vld [tilespmem:s17+$0x280]  }
0x27: {  	v15 =	vld [tilespmem:s17+$0x300]  }
0x28: {  	v17 =	vld [tilespmem:s17+$0x4000]  }
0x29: {  	v13 =	vimm.f32 $0.0e+00;
	v11 =	vld [tilespmem:s17+$0x180]  }
0x2a: {  	v18 =	vimm.f32 $0.0e+00;
	v20 =	vimm.f32 $0.0e+00;
	v12 =	vld [tilespmem:s17+$0x200];
	v6 =	vmul.f32 v6, v5  }
0x2b: {  	v21 =	vimm.f32 $0.0e+00;
	v7 =	vmul.f32 v7, v5;
	v16 =	vmul.f32 v8, v5  }
0x2c: {  	v19 =	vimm.f32 $0.0e+00;
	v14 =	vmul.f32 v14, v5;
	v27 =	vmul.f32 v15, v5  }
0x2d: {  	v25 =	vld [tilespmem:s17+$0x4080];
	v28 =	vmul.f32 v17, v5;
	v17 =	vimm.f32 $0.0e+00;
	v8 =	vadd.f32 v6, v13  }
0x2e: {  	v23 =	vld [tilespmem:s17+$0x4100];
	v10 =	vadd.f32 v7, v13;
	v6 =	vmul.f32 v9, v5;
	v7 =	vmul.f32 v11, v5  }
0x2f: {  	v22 =	vld [tilespmem:s17+$0x4180];
	v15 =	vimm.f32 $0.0e+00;
	v11 =	vadd.f32 v16, v13;
	v9 =	vmul.f32 v12, v5  }
0x30: {  	s31 =	simm.s32 $0x10;
	s18 =	simm.s32 $0x1;
	v24 =	vld [tilespmem:s17+$0x4200];
	v16 =	vimm.f32 $0.0e+00;
	v12 =	vadd.f32 v6, v13;
	v6 =	vadd.f32 v7, v13  }
0x31: {  	s19 =	simm.s32 $0x20;
	s21 =	sand.u32 $0x7, s18;
	s20 =	sand.u32 $0x70, s31;
	v26 =	vld [tilespmem:s17+$0x4280];
	v9 =	vadd.f32 v9, v13;
	v7 =	vadd.f32 v14, v13;
	v14 =	vimm.f32 $0.0e+00  }
.LBB2_4:
0x32: {  	p0 =	sne.s32 s19, $0x7F0;
	s21 =	sshll.u32 s21, $0x4;
	v13 =	vadd.f32 v27, v13;
	v25 =	vmul.f32 v25, v5;
	v27 =	vld [tilespmem:s17+$0x4300];
	s15 =	sadd.s32 $0x80, s15  }
0x33: {  	s16 =	sadd.s32 $0x10, s16;
	s21 =	sadd.s32 s21, s15;
	s22 =	sand.u32 $0x3C00, s15;
	v17 =	vadd.f32 v28, v17;
	v23 =	vmul.f32 v23, v5;
	v28 =	vld [tilespmem:s17+$0x4380]  }
0x34: {  	v29 =	vld [tilespmem:s16+$0x0];
	s17 =	sor.u32 s20, s22;
	s20 =	sor.u32 $0x380, s21;
	v18 =	vadd.f32 v25, v18;
	v22 =	vmul.f32 v22, v5  }
0x35: {  	v25 =	vld [tilespmem:s20+$0x0];
	v20 =	vadd.f32 v23, v20;
	v23 =	vmul.f32 v24, v5  }
0x36: {  	v24 =	vld [tilespmem:s17+$0x0];
	v21 =	vadd.f32 v22, v21;
	v22 =	vmul.f32 v26, v5  }
0x37: {  	v26 =	vld [tilespmem:s17+$0x80];
	v16 =	vadd.f32 v23, v16;
	v23 =	vmul.f32 v27, v5  }
0x38: {  	v27 =	vld [tilespmem:s17+$0x100];
	v19 =	vadd.f32 v22, v19;
	v22 =	vmul.f32 v28, v5  }
0x39: {  	v28 =	vld [tilespmem:s17+$0x180];
	v14 =	vadd.f32 v23, v14;
	v5 =	vmov v29  }
0x3a: {  	v23 =	vld [tilespmem:s17+$0x200];
	v25 =	vmul.f32 v25, v5;
	v15 =	vadd.f32 v22, v15  }
0x3b: {  	v22 =	vmul.f32 v24, v5;
	v24 =	vld [tilespmem:s17+$0x280]  }
0x3c: {  	v26 =	vmul.f32 v26, v5;
	v29 =	vld [tilespmem:s17+$0x300];
	v8 =	vadd.f32 v25, v8  }
0x3d: {  	v10 =	vadd.f32 v22, v10;
	v22 =	vmul.f32 v27, v5;
	v30 =	vld [tilespmem:s17+$0x4000]  }
.Ltmp1:
0x3e: {  	v11 =	vadd.f32 v26, v11;
	v26 =	vmul.f32 v28, v5;
	v25 =	vld [tilespmem:s17+$0x4080];
	(pc) =	sbr.rel @p0 .LBB2_4-.Ltmp1, $4  }
0x3f: {  	v12 =	vadd.f32 v22, v12;
	v27 =	vmul.f32 v23, v5;
	v23 =	vld [tilespmem:s17+$0x4100]  }
0x40: {  	v6 =	vadd.f32 v26, v6;
	v26 =	vmul.f32 v24, v5;
	v22 =	vld [tilespmem:s17+$0x4180]  }
0x41: {  	s18 =	sadd.s32 $0x1, s18;
	v9 =	vadd.f32 v27, v9;
	v27 =	vmul.f32 v29, v5;
	v24 =	vld [tilespmem:s17+$0x4200]  }
0x42: {  	s21 =	sand.u32 $0x7, s18;
	s20 =	sand.u32 $0x70, s19;
	s19 =	sadd.s32 $0x10, s19;
	v7 =	vadd.f32 v26, v7;
	v28 =	vmul.f32 v30, v5;
	v26 =	vld [tilespmem:s17+$0x4280]  }
0x43: {  	s18 =	sshll.u32 s21, $0x4;
	v29 =	vld [tilespmem:s17+$0x4300];
	s15 =	sadd.s32 $0x80, s15  }
0x44: {  	v30 =	vld [tilespmem:s17+$0x4380];
	s16 =	sadd.s32 $0x10, s16;
	s18 =	sadd.s32 s18, s15  }
0x45: {  	s15 =	sand.u32 $0x3C00, s15;
	v31 =	vld [tilespmem:s16+$0x0];
	s26 =	sor.u32 $0x380, s18  }
0x46: {  	s15 =	sor.u32 s20, s15;
	v32 =	vld [tilespmem:s26+$0x0]  }
0x47: {  	v33 =	vld [tilespmem:s15+$0x0]  }
0x48: {  	v34 =	vld [tilespmem:s15+$0x80]  }
0x49: {  	v23 =	vmul.f32 v23, v5;
	v35 =	vld [tilespmem:s15+$0x100]  }
0x4a: {  	v25 =	vmul.f32 v25, v5;
	v13 =	vadd.f32 v27, v13;
	v22 =	vmul.f32 v22, v5;
	v52 =	vld [tilespmem:s15+$0x180]  }
0x4b: {  	v17 =	vadd.f32 v28, v17;
	v24 =	vmul.f32 v24, v5;
	v53 =	vld [tilespmem:s15+$0x200];
	v20 =	vadd.f32 v23, v20  }
0x4c: {  	v23 =	vld [tilespmem:s15+$0x280];
	v21 =	vadd.f32 v22, v21;
	v22 =	vmul.f32 v26, v5;
	v54 =	vmul.f32 v29, v5  }
0x4d: {  	v18 =	vadd.f32 v25, v18;
	v60 =	vld [tilespmem:s15+$0x4180];
	v16 =	vadd.f32 v24, v16;
	v5 =	vmul.f32 v30, v5  }
0x4e: {  	v55 =	vld [tilespmem:s15+$0x300];
	v19 =	vadd.f32 v22, v19;
	v14 =	vadd.f32 v54, v14;
	v22 =	vmul.f32 v32, v31  }
0x4f: {  	v57 =	vld [tilespmem:s15+$0x4000];
	v5 =	vadd.f32 v5, v15;
	v56 =	vmul.f32 v33, v31;
	v15 =	vmul.f32 v34, v31  }
0x50: {  	v58 =	vld [tilespmem:s15+$0x4080];
	v25 =	vmul.f32 v53, v31;
	v8 =	vadd.f32 v22, v8;
	v22 =	vmul.f32 v35, v31  }
0x51: {  	v59 =	vld [tilespmem:s15+$0x4100];
	v10 =	vadd.f32 v56, v10;
	v11 =	vadd.f32 v15, v11;
	v15 =	vmul.f32 v52, v31  }
0x52: {  	v27 =	vmul.f32 v60, v31;
	v12 =	vadd.f32 v22, v12;
	v22 =	vmul.f32 v23, v31  }
0x53: {  	v23 =	vmul.f32 v55, v31;
	v6 =	vadd.f32 v15, v6;
	v15 =	vld [tilespmem:s15+$0x4200];
	v61 =	vperm.xlane v10, v1  }
0x54: {  	v62 =	vld [tilespmem:s15+$0x4280];
	v32 =	vperm.xlane v11, v1;
	v7 =	vadd.f32 v22, v7;
	v22 =	vmul.f32 v57, v31  }
0x55: {  	v63 =	vld [tilespmem:s15+$0x4300];
	v13 =	vadd.f32 v23, v13;
	v23 =	vmul.f32 v58, v31;
	v10 =	vadd.f32 v61, v10  }
0x56: {  	v9 =	vadd.f32 v25, v9;
	v22 =	vadd.f32 v22, v17;
	v17 =	vmul.f32 v59, v31  }
0x57: {  	v33 =	vld [tilespmem:s15+$0x4380];
	v11 =	vadd.f32 v32, v11;
	v18 =	vadd.f32 v23, v18;
	v23 =	vperm.xlane v10, v2  }
0x58: {  	v21 =	vadd.f32 v27, v21;
	v15 =	vmul.f32 v15, v31;
	v20 =	vadd.f32 v17, v20  }
0x59: {  	v17 =	vmul.f32 v62, v31;
	v10 =	vadd.f32 v23, v10;
	v23 =	vperm.xlane v11, v2  }
0x5a: {  	v34 =	vperm.xlane v12, v1;
	v16 =	vadd.f32 v15, v16;
	v15 =	vmul.f32 v63, v31  }
0x5b: {  	v19 =	vadd.f32 v17, v19;
	v17 =	vperm.xlane v10, v3;
	v11 =	vadd.f32 v23, v11  }
0x5c: {  	v35 =	vperm.xlane v6, v1;
	v12 =	vadd.f32 v34, v12;
	v23 =	vmul.f32 v33, v31  }
0x5d: {  	v36 =	vadd.f32 v15, v14;
	v10 =	vadd.f32 v17, v10;
	v14 =	vperm.xlane v11, v3  }
0x5e: {  	v37 =	vperm.xlane v9, v1;
	v6 =	vadd.f32 v35, v6;
	v15 =	vperm.xlane v12, v2  }
0x5f: {  	v17 =	vadd.f32 v23, v5;
	v5 =	vperm.xlane v10, v4;
	v11 =	vadd.f32 v14, v11  }
0x60: {  	v9 =	vadd.f32 v37, v9;
	v12 =	vadd.f32 v15, v12;
	v14 =	vperm.xlane v6, v2  }
0x61: {  	v15 =	vperm.xlane v7, v1;
	v5 =	vadd.f32 v5, v10;
	v10 =	vperm.xlane v11, v4  }
0x62: {  	v24 =	vperm.xlane v9, v2;
	v23 =	vperm.xlane v12, v3;
	v14 =	vadd.f32 v14, v6  }
0x63: {  	v7 =	vadd.f32 v15, v7;
	v6 =	vadd.f32 v10, v11;
	v10 =	vperm.xlane v13, v1  }
0x64: {  	v9 =	vadd.f32 v24, v9;
	v11 =	vadd.f32 v23, v12;
	v12 =	vperm.xlane v14, v3  }
0x65: {  	v15 =	vperm.xlane v7, v2;
	v10 =	vadd.f32 v10, v13;
	v13 =	vperm.xlane v8, v1  }
0x66: {  	v23 =	vperm.xlane v11, v4;
	v12 =	vadd.f32 v12, v14;
	v14 =	vperm.xlane v9, v3  }
0x67: {  	v15 =	vadd.f32 v15, v7;
	v38 =	vperm.xlane v10, v2;
	v13 =	vadd.f32 v13, v8  }
0x68: {  	v7 =	vadd.f32 v23, v11;
	v8 =	vperm.xlane v12, v4;
	v9 =	vadd.f32 v14, v9  }
0x69: {  	v11 =	vperm.xlane v15, v3;
	v10 =	vadd.f32 v38, v10;
	v14 =	vperm.xlane v13, v2  }
0x6a: {  	v23 =	vperm.xlane v22, v1;
	v8 =	vadd.f32 v8, v12;
	v12 =	vperm.xlane v9, v4  }
0x6b: {  	s15 =	simm.s32 $0x0;
	v11 =	vadd.f32 v11, v15;
	v15 =	vperm.xlane v10, v3;
	v13 =	vadd.f32 v14, v13  }
0x6c: {  	s28 =	sand.u32 $0x70, s15;
	s29 =	sand.u32 $0x3C00, s15;
	v9 =	vadd.f32 v12, v9;
	v12 =	vadd.f32 v23, v22;
	v14 =	vperm.xlane v18, v1  }
0x6d: {  	s17 =	sor.u32 s28, s29;
	v22 =	vperm.xlane v11, v4;
	v15 =	vadd.f32 v15, v10;
	v23 =	vperm.xlane v13, v3  }
0x6e: {  	s16 =	simm.s32 $0x10800;
	v40 =	vld [tilespmem:s17+$0x8000];
	v39 =	vperm.xlane v12, v2;
	v14 =	vadd.f32 v14, v18;
	v18 =	vperm.xlane v20, v1  }
0x6f: {  	v10 =	vadd.f32 v22, v11;
	v22 =	vld [tilespmem:s16+$0x0];
	v11 =	vperm.xlane v15, v4;
	v13 =	vadd.f32 v23, v13  }
0x70: {  	v23 =	vadd.f32 v39, v12;
	v12 =	vperm.xlane v14, v2;
	v18 =	vadd.f32 v18, v20;
	v20 =	vld [tilespmem:s17+$0x8080]  }
0x71: {  	v41 =	vperm.xlane v21, v1;
	v11 =	vadd.f32 v11, v15;
	v15 =	vperm.xlane v13, v4  }
0x72: {  	v44 =	vld [tilespmem:s17+$0x8100];
	v42 =	vperm.xlane v23, v3;
	v14 =	vadd.f32 v12, v14;
	v43 =	vperm.xlane v18, v2  }
0x73: {  	v12 =	vadd.f32 v15, v13;
	v13 =	vadd.f32 v41, v21;
	v15 =	vmul.f32 v40, v5  }
0x74: {  	v45 =	vld [tilespmem:s17+$0x8180];
	v21 =	vadd.f32 v42, v23;
	v23 =	vperm.xlane v14, v3;
	v18 =	vadd.f32 v43, v18  }
0x75: {  	v20 =	vmul.f32 v20, v6;
	v46 =	vperm.xlane v13, v2;
	v15 =	vadd.f32 v15, v22  }
0x76: {  	v47 =	vld [tilespmem:s17+$0x8200];
	v22 =	vperm.xlane v21, v4;
	v14 =	vadd.f32 v23, v14;
	v23 =	vperm.xlane v18, v3  }
0x77: {  	v26 =	vadd.f32 v46, v13;
	v15 =	vadd.f32 v20, v15;
	v20 =	vmul.f32 v44, v7  }
0x78: {  	s30 =	sand.u32 $0x7, s15;
	v13 =	vadd.f32 v22, v21;
	v21 =	vperm.xlane v14, v4;
	v18 =	vadd.f32 v23, v18;
	v22 =	vld [tilespmem:s17+$0x8280]  }
0x79: {  	s18 =	sshll.u32 s30, $0x4;
	v23 =	vperm.xlane v26, v3;
	v15 =	vadd.f32 v20, v15;
	v20 =	vmul.f32 v45, v8  }
0x7a: {  	s18 =	sadd.s32 $0x0, s18;
	v49 =	vld [tilespmem:s17+$0x8300];
	v48 =	vperm.xlane v16, v1;
	v14 =	vadd.f32 v21, v14;
	v21 =	vperm.xlane v18, v4  }
0x7b: {  	s18 =	sor.u32 $0x380, s18;
	v50 =	vmul.f32 v47, v9;
	v23 =	vadd.f32 v23, v26;
	v20 =	vadd.f32 v20, v15  }
0x7c: {  	v15 =	vadd.f32 v21, v18;
	v18 =	vadd.f32 v48, v16;
	v16 =	vperm.xlane v19, v1;
	v21 =	vld [tilespmem:s18+$0x8000]  }
0x7d: {  	v53 =	vperm.xlane v36, v1;
	v22 =	vmul.f32 v22, v10;
	v20 =	vadd.f32 v50, v20  }
0x7e: {  	v54 =	vld [tilespmem:s17+$0xC000];
	v51 =	vperm.xlane v23, v4;
	v52 =	vperm.xlane v18, v2;
	v19 =	vadd.f32 v16, v19  }
0x7f: {  	v55 =	vadd.f32 v53, v36;
	v20 =	vadd.f32 v22, v20;
	v22 =	vmul.f32 v49, v11  }
0x80: {  	v56 =	vld [tilespmem:s17+$0xC080];
	v16 =	vadd.f32 v51, v23;
	v18 =	vadd.f32 v52, v18;
	v23 =	vperm.xlane v19, v2  }
0x81: {  	v57 =	vperm.xlane v17, v1;
	v21 =	vmul.f32 v21, v12;
	v20 =	vadd.f32 v22, v20  }
0x82: {  	v58 =	vld [tilespmem:s17+$0xC100];
	v22 =	vperm.xlane v18, v3;
	v19 =	vadd.f32 v23, v19;
	v23 =	vperm.xlane v55, v2  }
0x83: {  	v17 =	vadd.f32 v57, v17;
	v20 =	vadd.f32 v21, v20;
	v21 =	vmul.f32 v54, v13  }
0x84: {  	v59 =	vld [tilespmem:s17+$0xC180];
	v18 =	vadd.f32 v22, v18;
	v22 =	vperm.xlane v19, v3;
	v23 =	vadd.f32 v23, v55  }
0x85: {  	v26 =	vperm.xlane v17, v2;
	v20 =	vadd.f32 v21, v20;
	v21 =	vmul.f32 v56, v14  }
0x86: {  	v61 =	vld [tilespmem:s17+$0xC200];
	v60 =	vperm.xlane v18, v4;
	v19 =	vadd.f32 v22, v19;
	v22 =	vperm.xlane v23, v3  }
0x87: {  	v26 =	vadd.f32 v26, v17;
	v20 =	vadd.f32 v21, v20;
	v21 =	vmul.f32 v58, v15  }
0x88: {  	v17 =	vadd.f32 v60, v18;
	v18 =	vperm.xlane v19, v4;
	v22 =	vadd.f32 v22, v23;
	v23 =	vld [tilespmem:s17+$0xC280]  }
0x89: {  	v62 =	vperm.xlane v26, v3;
	v20 =	vadd.f32 v21, v20;
	v21 =	vmul.f32 v59, v16  }
0x8a: {  	v63 =	vld [tilespmem:s17+$0xC300];
	v18 =	vadd.f32 v18, v19;
	v19 =	vperm.xlane v22, v4  }
0x8b: {  	v25 =	vadd.f32 v62, v26;
	v20 =	vadd.f32 v21, v20;
	v21 =	vmul.f32 v61, v17  }
0x8c: {  	v19 =	vadd.f32 v19, v22;
	v22 =	vld [tilespmem:s17+$0xC380]  }
0x8d: {  	v26 =	vperm.xlane v25, v4;
	v23 =	vmul.f32 v23, v18;
	v21 =	vadd.f32 v21, v20;
	_ =	sdelay $0x1  }
0x8e: {  	v20 =	vadd.f32 v26, v25;
	v21 =	vadd.f32 v23, v21;
	v23 =	vmul.f32 v63, v19;
	_ =	sdelay $0x1  }
0x8f: {  	v22 =	vmul.f32 v22, v20;
	v21 =	vadd.f32 v23, v21;
	_ =	sdelay $0x1  }
0x90: {  	s31 =	simm.s32 $0x10;
	s17 =	simm.s32 $0x80;
	v21 =	vadd.f32 v22, v21  }
0x91: {  	s19 =	sand.u32 $0x70, s31;
	s18 =	simm.s32 $0x20;
	s20 =	sand.u32 $0x3C00, s17  }
.LBB2_6:
0x92: {  	p0 =	sne.s32 s18, $0x7F0;
	s19 =	sor.u32 s19, s20;
	[tilespmem:s16+$0x0] =	vst v21  }
0x93: {  	s16 =	sadd.s32 $0x10, s16;
	v21 =	vld [tilespmem:s19+$0x8000]  }
0x94: {  	v22 =	vld [tilespmem:s16+$0x0]  }
0x95: {  	v23 =	vld [tilespmem:s19+$0x8080];
	_ =	sdelay $0x1  }
0x96: {  	v24 =	vld [tilespmem:s19+$0x8100]  }
0x97: {  	v21 =	vmul.f32 v21, v5  }
0x98: {  	v25 =	vld [tilespmem:s19+$0x8180]  }
0x99: {  	v21 =	vadd.f32 v21, v22;
	v22 =	vmul.f32 v23, v6  }
0x9a: {  	v23 =	vld [tilespmem:s19+$0x8200]  }
0x9b: {  	s15 =	sadd.s32 $0x1, s15;
	v21 =	vadd.f32 v22, v21;
	v22 =	vmul.f32 v24, v7  }
0x9c: {  	s20 =	sand.u32 $0x7, s15;
	v24 =	vld [tilespmem:s19+$0x8280]  }
0x9d: {  	s20 =	sshll.u32 s20, $0x4;
	v21 =	vadd.f32 v22, v21;
	v22 =	vmul.f32 v25, v8  }
0x9e: {  	s20 =	sadd.s32 s20, s17;
	v25 =	vld [tilespmem:s19+$0x8300]  }
0x9f: {  	s20 =	sor.u32 $0x380, s20;
	v21 =	vadd.f32 v22, v21;
	v22 =	vmul.f32 v23, v9  }
0xa0: {  	v23 =	vld [tilespmem:s20+$0x8000]  }
0xa1: {  	v21 =	vadd.f32 v22, v21;
	v22 =	vmul.f32 v24, v10  }
0xa2: {  	v24 =	vld [tilespmem:s19+$0xC000]  }
0xa3: {  	v21 =	vadd.f32 v22, v21;
	v22 =	vmul.f32 v25, v11  }
0xa4: {  	v25 =	vld [tilespmem:s19+$0xC080]  }
0xa5: {  	v21 =	vadd.f32 v22, v21;
	v22 =	vmul.f32 v23, v12  }
0xa6: {  	v23 =	vld [tilespmem:s19+$0xC100]  }
0xa7: {  	v21 =	vadd.f32 v22, v21;
	v22 =	vmul.f32 v24, v13  }
0xa8: {  	v24 =	vld [tilespmem:s19+$0xC180]  }
0xa9: {  	v21 =	vadd.f32 v22, v21;
	v22 =	vmul.f32 v25, v14  }
0xaa: {  	v25 =	vld [tilespmem:s19+$0xC200]  }
0xab: {  	v21 =	vadd.f32 v22, v21;
	v22 =	vmul.f32 v23, v15  }
0xac: {  	v23 =	vld [tilespmem:s19+$0xC280]  }
0xad: {  	v21 =	vadd.f32 v22, v21;
	v22 =	vmul.f32 v24, v16  }
0xae: {  	v24 =	vld [tilespmem:s19+$0xC300]  }
0xaf: {  	v21 =	vadd.f32 v22, v21;
	v22 =	vmul.f32 v25, v17  }
0xb0: {  	v25 =	vld [tilespmem:s19+$0xC380]  }
0xb1: {  	v21 =	vadd.f32 v22, v21;
	v22 =	vmul.f32 v23, v18;
	_ =	sdelay $0x1  }
0xb2: {  	v21 =	vadd.f32 v22, v21;
	v22 =	vmul.f32 v24, v19  }
.Ltmp2:
0xb3: {  	(pc) =	sbr.rel @p0 .LBB2_6-.Ltmp2, $3  }
0xb4: {  	v21 =	vadd.f32 v22, v21;
	v22 =	vmul.f32 v25, v20;
	_ =	sdelay $0x1  }
0xb5: {  	s17 =	sadd.s32 $0x80, s17;
	v21 =	vadd.f32 v22, v21  }
0xb6: {  	s20 =	sand.u32 $0x3C00, s17;
	s19 =	sand.u32 $0x70, s18;
	s18 =	sadd.s32 $0x10, s18  }
0xb7: {  	s18 =	sor.u32 s19, s20;
	[tilespmem:s16+$0x0] =	vst v21  }
0xb8: {  	s31 =	sadd.s32 $0x10, s16;
	v21 =	vld [tilespmem:s18+$0x8000]  }
0xb9: {  	v22 =	vld [tilespmem:s31+$0x0]  }
0xba: {  	v23 =	vld [tilespmem:s18+$0x8080];
	_ =	sdelay $0x1  }
0xbb: {  	v24 =	vld [tilespmem:s18+$0x8100]  }
0xbc: {  	v5 =	vmul.f32 v21, v5  }
0xbd: {  	v55 =	vld [tilespmem:s18+$0x8180]  }
0xbe: {  	v6 =	vmul.f32 v23, v6;
	v5 =	vadd.f32 v5, v22  }
0xbf: {  	v56 =	vld [tilespmem:s18+$0x8200]  }
0xc0: {  	s15 =	sadd.s32 $0x1, s15;
	v5 =	vadd.f32 v6, v5;
	v6 =	vmul.f32 v24, v7  }
0xc1: {  	s15 =	sand.u32 $0x7, s15;
	v7 =	vld [tilespmem:s18+$0x8280]  }
0xc2: {  	s15 =	sshll.u32 s15, $0x4;
	v5 =	vadd.f32 v6, v5;
	v6 =	vmul.f32 v55, v8  }
0xc3: {  	v57 =	vld [tilespmem:s18+$0x8300];
	s15 =	sadd.s32 s15, s17  }
0xc4: {  	s15 =	sor.u32 $0x380, s15;
	v5 =	vadd.f32 v6, v5;
	v6 =	vmul.f32 v56, v9  }
0xc5: {  	v58 =	vld [tilespmem:s15+$0x8000]  }
0xc6: {  	v5 =	vadd.f32 v6, v5;
	v6 =	vmul.f32 v7, v10  }
0xc7: {  	v7 =	vld [tilespmem:s18+$0xC000]  }
0xc8: {  	v5 =	vadd.f32 v6, v5;
	v6 =	vmul.f32 v57, v11  }
0xc9: {  	v59 =	vld [tilespmem:s18+$0xC080]  }
0xca: {  	v5 =	vadd.f32 v6, v5;
	v6 =	vmul.f32 v58, v12  }
0xcb: {  	v60 =	vld [tilespmem:s18+$0xC100]  }
0xcc: {  	v5 =	vadd.f32 v6, v5;
	v6 =	vmul.f32 v7, v13  }
0xcd: {  	v7 =	vld [tilespmem:s18+$0xC180]  }
0xce: {  	v5 =	vadd.f32 v6, v5;
	v6 =	vmul.f32 v59, v14  }
0xcf: {  	v61 =	vld [tilespmem:s18+$0xC200]  }
0xd0: {  	v5 =	vadd.f32 v6, v5;
	v6 =	vmul.f32 v60, v15  }
0xd1: {  	v62 =	vld [tilespmem:s18+$0xC280]  }
0xd2: {  	v5 =	vadd.f32 v6, v5;
	v6 =	vmul.f32 v7, v16  }
0xd3: {  	v7 =	vld [tilespmem:s18+$0xC300]  }
0xd4: {  	v5 =	vadd.f32 v6, v5;
	v6 =	vmul.f32 v61, v17  }
0xd5: {  	v63 =	vld [tilespmem:s18+$0xC380]  }
0xd6: {  	v5 =	vadd.f32 v6, v5;
	v6 =	vmul.f32 v62, v18;
	_ =	sdelay $0x1  }
0xd7: {  	v5 =	vadd.f32 v6, v5;
	v6 =	vmul.f32 v7, v19;
	_ =	sdelay $0x1  }
0xd8: {  	v5 =	vadd.f32 v6, v5;
	v6 =	vmul.f32 v63, v20;
	_ =	sdelay $0x1  }
0xd9: {  	s14 =	sadd.s32 $0x1, s14;
	v5 =	vadd.f32 v6, v5  }
0xda: {  	p0 =	sne.s32 s14, s7  }
.Ltmp3:
0xdb: {  	[tilespmem:s31+$0x0] =	vst v5;
	(pc) =	sbr.rel @p0 .LBB2_1-.Ltmp3, $4  }
0xdc: {  	[hbm4b:s6+s11] =	stream.strided.scatter [tilespmem:s13], [sflag:$0x1], $0x800, s12, s11, $0x38;
	[tilespmem:$0x11000] =	vst v63  }
0xdd: {  	_ =	swait.ge [sflag:s9], $0x800  }
0xde: {  	[sflag:s9] =	ssyncset.done $0x0  }
0xdf: {  	[sflag:s9] =	ssyncadd.s32 $0xFFFFF800  }
0xe0: {  	_ =	sfence.sel $0x180000  }
0xe1: {  	[bflag:$0x0] =	sbarrier.arrive $0xFFFF  }
0xe2: {  	p0 =	sne.s32 s2, $0x0;
	_ =	strace $0x90000047  }
0xe3: {  	s0 =	sadd.s32 @!p0 $0x100000, s0;
	[bflag:$0x2] =	sbarrier.arrive $0xFFFF  }
0xe4: {  	[sflag:s0] =	ssyncadd.tile.s32 @!p0 $0x1;
	_ =	shalt  }
.Lfunc_end2:
_tile_overlayer_lowered:
.L_overlay_start_2:
0xe5: {  	(tag) =	ssettag $0x2  }
0xe6: {  	s0 =	rddreg [dreg:$0x0];
	s2 =	stileid.u32  }
0xe7: {  	s1 =	rddreg [dreg:$0x1];
	p0 =	sne.s32 s2, $0x0  }
0xe8: {  	s3 =	rddreg [dreg:$0x2];
	[bflag:$0x3] =	sbarrier.arrive $0xFFFF;
	s2 =	simm.s32 @!p0 $0x1C01  }
0xe9: {  	[timem:s3], [sflag:s2] =	dma.local @!p0 [hbm:s0], s1  }
0xea: {  	s0 =	simm.s32 @!p0 $0x1  }
0xeb: {  	_ =	swait.ge @!p0 [sflag:s0], s1  }
0xec: {  	s1 =	ssub.s32 @!p0 $0x0, s1;
	[sflag:s0] =	ssyncset.done @!p0 $0x0  }
0xed: {  	[sflag:s0] =	ssyncadd.s32 @!p0 s1  }
0xee: {  	[bflag:$0x3] =	sbarrier.arrive $0xFFFF  }
0xef: {  	_ =	shalt  }

</sc_bundles>
